<compile_context>
chip_gen: v7x
topology: tpu7x:2x2x1
jax: 0.10.2.dev20260603
libtpu: 0.0.44.dev20260713+nightly
codegen_flags: <defaults>
</compile_context>

<pallas_src>
import functools

import jax
import jax.numpy as jnp
from jax import lax
from jax.experimental import pallas as pl
from jax.experimental.pallas import tpu as pltpu
from jax.experimental.pallas import tpu_sc as plsc

N = 20000
N_PAD = 20480
NTILES = 16
CHUNK = N_PAD // NTILES
ITERS = CHUNK // 16
IOU_TR = 0.3
NEG_INF = float("-inf")

_mesh = plsc.VectorSubcoreMesh(core_axis_name="c", subcore_axis_name="s")


@functools.partial(
    pl.kernel,
    out_type=jax.ShapeDtypeStruct((32,), jnp.float32),
    mesh=_mesh,
    compiler_params=pltpu.CompilerParams(needs_layout_passes=False),
    scratch_types=(
        [pltpu.VMEM((CHUNK,), jnp.float32) for _ in range(8)]
        + [
            pltpu.VMEM((CHUNK,), jnp.float32),
            pltpu.VMEM((16,), jnp.float32),
            pltpu.VMEM((256,), jnp.float32),
            pltpu.VMEM((16,), jnp.float32),
            pltpu.SemaphoreType.DMA,
            pltpu.SemaphoreType.DMA,
            pltpu.VMEM_SHARED((512,), jnp.float32),
        ]
    ),
)
def _nms_sc(res_hbm, out_hbm,
            cb0, cb1, cb2, cb3, cb4, cb5, cb6, cb7, scvec, pub, lbuf, outv,
            sem_sc, sem_co, board_sp):
    cid = lax.axis_index("c")
    sid = lax.axis_index("s")

    lanes = lax.iota(jnp.int32, 16)
    neg_inf = jnp.float32(NEG_INF)
    cols = (cb0, cb1, cb2, cb3, cb4, cb5, cb6, cb7)

    copies = [
        pltpu.make_async_copy(
            res_hbm.at[pl.ds(k * N_PAD + sid * CHUNK, CHUNK)],
            v.at[pl.ds(0, CHUNK)], sem_sc if k < 2 else sem_co)
        for k, v in enumerate(cols)
    ]
    for c in copies:
        c.start()
    copies[0].wait()
    copies[1].wait()

    classf = cid.astype(jnp.float32)
    base_g = sid * CHUNK

    mval0 = jnp.full((16,), neg_inf, jnp.float32)
    midx0 = jnp.full((16,), base_g, jnp.int32)
    HALF = ITERS // 2

    def _upd(mval, midx, sc, rid):
        upd = sc > mval
        return jnp.where(upd, sc, mval), jnp.where(upd, rid + base_g, midx)

    def _merge(c1, c2):
        (m1, i1), (m2, i2) = c1, c2
        upd = m2 > m1
        return jnp.where(upd, m2, m1), jnp.where(upd, i2, i1)

    def _sc_at(rid):
        score = plsc.load_gather(cb0, [rid])
        clsv = plsc.load_gather(cb1, [rid])
        sc = jnp.where((clsv == classf) & (score >= 0.0), score, neg_inf)
        plsc.store_scatter(scvec, [rid], sc)
        return sc

    def pass_a(i, carry):
        m1, i1, m2, i2 = carry
        rid1 = i * 16 + lanes
        rid2 = (i + HALF) * 16 + lanes
        m1, i1 = _upd(m1, i1, _sc_at(rid1), rid1)
        m2, i2 = _upd(m2, i2, _sc_at(rid2), rid2)
        return m1, i1, m2, i2

    c_a = lax.fori_loop(0, HALF, pass_a, (mval0, midx0, mval0, midx0))
    mval_a, midx_a = _merge((c_a[0], c_a[1]), (c_a[2], c_a[3]))

    for c in copies[2:]:
        c.wait()

    def publish(r, mval, midx):
        m = jnp.max(mval)
        g = jnp.min(jnp.where(mval == m, midx, jnp.int32(2**30)))
        lidx = jnp.full((16,), g - base_g, jnp.int32)
        v = jnp.where(lanes == 0, m, g.astype(jnp.float32))
        for k in range(8):
            v = jnp.where(lanes == 2 + k,
                          plsc.load_gather(cols[k], [lidx]), v)
        pub[...] = v
        pltpu.sync_copy(pub, board_sp.at[pl.ds(r * 256 + sid * 16, 16)])

    def read_reduce(r):
        pltpu.sync_copy(board_sp.at[pl.ds(r * 256, 256)], lbuf)
        mcol = plsc.load_gather(lbuf, [lanes * 16])
        icol = plsc.load_gather(lbuf, [lanes * 16 + 1])
        mg = jnp.max(mcol)
        gidx = jnp.min(jnp.where(mcol == mg, icol, jnp.float32(1e30)))
        w = jnp.min(jnp.where((mcol == mg) & (icol == gidx), lanes,
                              jnp.int32(16)))
        return jnp.full((16,), w, jnp.int32)

    def out_row(wv, slot):
        orow = plsc.load_gather(lbuf, [wv * 16 + lanes + 2], mask=lanes < 8)
        plsc.store_scatter(outv, [lanes + slot * 8], orow, mask=lanes < 8)

    publish(0, mval_a, midx_a)
    plsc.subcore_barrier()
    wv = read_reduce(0)

    def coord(k):
        return plsc.load_gather(lbuf, [wv * 16 + 4 + k])

    bx1, by1, bz1 = coord(0), coord(1), coord(2)
    bx2, by2, bz2 = coord(3), coord(4), coord(5)
    v1 = (jnp.maximum(bx2 - bx1, 0.0) * jnp.maximum(by2 - by1, 0.0)
          * jnp.maximum(bz2 - bz1, 0.0))

    @pl.when(sid == 0)
    def _():
        out_row(wv, 0)

    tr = jnp.float32(IOU_TR)
    eps = jnp.float32(1e-7)

    def _supp_at(rid):
        sc = plsc.load_gather(scvec, [rid])
        x1 = plsc.load_gather(cb2, [rid])
        y1 = plsc.load_gather(cb3, [rid])
        z1 = plsc.load_gather(cb4, [rid])
        x2 = plsc.load_gather(cb5, [rid])
        y2 = plsc.load_gather(cb6, [rid])
        z2 = plsc.load_gather(cb7, [rid])
        wx = jnp.maximum(jnp.minimum(bx2, x2) - jnp.maximum(bx1, x1), 0.0)
        wy = jnp.maximum(jnp.minimum(by2, y2) - jnp.maximum(by1, y1), 0.0)
        wz = jnp.maximum(jnp.minimum(bz2, z2) - jnp.maximum(bz1, z1), 0.0)
        inter = wx * wy * wz
        v2 = (jnp.maximum(x2 - x1, 0.0) * jnp.maximum(y2 - y1, 0.0)
              * jnp.maximum(z2 - z1, 0.0))
        keep = inter <= tr * (v1 + v2 - inter + eps)
        return jnp.where(keep, sc, neg_inf)

    def pass_b(i, carry):
        m1, i1, m2, i2 = carry
        rid1 = i * 16 + lanes
        rid2 = (i + HALF) * 16 + lanes
        m1, i1 = _upd(m1, i1, _supp_at(rid1), rid1)
        m2, i2 = _upd(m2, i2, _supp_at(rid2), rid2)
        return m1, i1, m2, i2

    c_b = lax.fori_loop(0, HALF, pass_b, (mval0, midx0, mval0, midx0))
    mval_b, midx_b = _merge((c_b[0], c_b[1]), (c_b[2], c_b[3]))

    publish(1, mval_b, midx_b)
    plsc.subcore_barrier()

    @pl.when(sid == 0)
    def _():
        wv2 = read_reduce(1)
        out_row(wv2, 1)
        pltpu.sync_copy(outv, out_hbm.at[pl.ds(cid * 16, 16)])


def kernel(results):
    cols = jnp.pad(results.T, ((0, 0), (0, N_PAD - N)), constant_values=-1.0)
    out = _nms_sc(cols.reshape(-1))
    return out.reshape(4, 8)

# --- scband reference (transcript-rebuilt; emitter-appended) ---
"""Pipeline reference for scband-nms3d-sagittal-foramina-63737314673342 (READ-ONLY COPY).

The authoritative reference and input builder live on the scoring server;
editing this copy changes nothing except your own understanding.
"""

import jax, jax.numpy as jnp
import numpy as np

IOU_TR = 0.3
SCORE_TR = 0.0
UNIQUE_CLS = 2


def setup_inputs(seed: int = 0) -> dict:
    key = jax.random.key(seed)
    N = 20000
    k1, k2, k3, k4 = jax.random.split(key, 4)
    scores = jax.random.uniform(k1, (N,), dtype=jnp.float32)
    cls = jax.random.randint(k2, (N,), 0, UNIQUE_CLS).astype(jnp.float32)
    centers = jax.random.uniform(k3, (N, 3), minval=0.0, maxval=50.0, dtype=jnp.float32)
    sizes = jax.random.uniform(k4, (N, 3), minval=10.0, maxval=20.0, dtype=jnp.float32)
    mins = centers - sizes / 2.0
    maxs = centers + sizes / 2.0
    results = jnp.concatenate([scores[:, None], cls[:, None], mins, maxs], axis=1)
    return {"results": results}


def _bbox_iou_3d(box, boxes):
    # box: [6] = (x1,y1,z1,x2,y2,z2); boxes: [M,6]
    lt = jnp.maximum(box[:3], boxes[:, :3])
    rb = jnp.minimum(box[3:6], boxes[:, 3:6])
    whd = jnp.clip(rb - lt, 0.0, None)
    inter = whd[:, 0] * whd[:, 1] * whd[:, 2]
    s1 = jnp.clip(box[3:6] - box[:3], 0.0, None)
    v1 = s1[0] * s1[1] * s1[2]
    s2 = jnp.clip(boxes[:, 3:6] - boxes[:, :3], 0.0, None)
    v2 = s2[:, 0] * s2[:, 1] * s2[:, 2]
    return inter / (v1 + v2 - inter + 1e-7)


def _nms(results):
    aresult = jnp.asarray(results, dtype=jnp.float32)
    out = []
    for i in range(UNIQUE_CLS):
        valid = (aresult[:, 1] == float(i)) & (aresult[:, 0] >= SCORE_TR)
        sc = jnp.where(valid, aresult[:, 0], -jnp.inf)
        # greedy NMS; the final output keeps result[0:2], i.e. exactly the
        # first two greedy picks in descending-score order per class
        for _ in range(2):
            j = jnp.argmax(sc)
            out.append(aresult[j])
            ious = _bbox_iou_3d(aresult[j, 2:8], aresult[:, 2:8])
            sc = jnp.where(ious <= IOU_TR, sc, -jnp.inf)
    return jnp.stack(out, axis=0)


def reference(results):
    # clone().detach() in torch: pure value computation, no autodiff dependence
    out = _nms(results)
    return jnp.asarray(out)

if __name__ == "__main__":
    import jax
    _d = setup_inputs()
    print(jax.jit(kernel)(*tuple(_d.values())))

</pallas_src>

<mosaic_0001>
#map = affine_map<(d0, d1) -> (0)>
module attributes {stable_mosaic.version = 14 : i64} {
  func.func @_nms_sc(%arg0: i32, %arg1: i32, %arg2: memref<163840xf32, #tpu.memory_space<hbm>>, %arg3: memref<32xf32, #tpu.memory_space<hbm>>, %arg4: memref<1280xf32, #tpu.memory_space<vmem>>, %arg5: memref<1280xf32, #tpu.memory_space<vmem>>, %arg6: memref<1280xf32, #tpu.memory_space<vmem>>, %arg7: memref<1280xf32, #tpu.memory_space<vmem>>, %arg8: memref<1280xf32, #tpu.memory_space<vmem>>, %arg9: memref<1280xf32, #tpu.memory_space<vmem>>, %arg10: memref<1280xf32, #tpu.memory_space<vmem>>, %arg11: memref<1280xf32, #tpu.memory_space<vmem>>, %arg12: memref<1280xf32, #tpu.memory_space<vmem>>, %arg13: memref<16xf32, #tpu.memory_space<vmem>>, %arg14: memref<256xf32, #tpu.memory_space<vmem>>, %arg15: memref<16xf32, #tpu.memory_space<vmem>>, %arg16: memref<!tpu.dma_semaphore, #tpu.memory_space<semaphore_mem>>, %arg17: memref<!tpu.dma_semaphore, #tpu.memory_space<semaphore_mem>>, %arg18: memref<512xf32, #tpu.memory_space<vmem_shared>>) attributes {dimension_semantics = [#tpu.dimension_semantics<core_parallel>, #tpu.dimension_semantics<subcore_parallel>], iteration_bounds = array<i64: 2, 16>, scalar_prefetch = 0 : i64, scratch_operands = 15 : i64, tpu.core_type = #tpu.core_type<sc_vector_subcore>, window_params = [{transform_indices = #map}, {transform_indices = #map}]} {
    %iota3A = tpu.iota {dimensions = array<i32: 0>} : vector<16xi32>
    %mul3A = arith.constant 1280 : i32
    %mul3A_0 = arith.muli %arg1, %mul3A : i32
    %add3A = arith.constant 0 : i32
    %add3A_1 = arith.addi %add3A, %mul3A_0 : i32
    %mul3A_2 = arith.constant 1280 : i32
    %mul3A_3 = arith.muli %arg1, %mul3A_2 : i32
    %add3A_4 = arith.constant 20480 : i32
    %add3A_5 = arith.addi %add3A_4, %mul3A_3 : i32
    %mul3A_6 = arith.constant 1280 : i32
    %mul3A_7 = arith.muli %arg1, %mul3A_6 : i32
    %add3A_8 = arith.constant 40960 : i32
    %add3A_9 = arith.addi %add3A_8, %mul3A_7 : i32
    %mul3A_10 = arith.constant 1280 : i32
    %mul3A_11 = arith.muli %arg1, %mul3A_10 : i32
    %add3A_12 = arith.constant 61440 : i32
    %add3A_13 = arith.addi %add3A_12, %mul3A_11 : i32
    %mul3A_14 = arith.constant 1280 : i32
    %mul3A_15 = arith.muli %arg1, %mul3A_14 : i32
    %add3A_16 = arith.constant 81920 : i32
    %add3A_17 = arith.addi %add3A_16, %mul3A_15 : i32
    %mul3A_18 = arith.constant 1280 : i32
    %mul3A_19 = arith.muli %arg1, %mul3A_18 : i32
    %add3A_20 = arith.constant 102400 : i32
    %add3A_21 = arith.addi %add3A_20, %mul3A_19 : i32
    %mul3A_22 = arith.constant 1280 : i32
    %mul3A_23 = arith.muli %arg1, %mul3A_22 : i32
    %add3A_24 = arith.constant 122880 : i32
    %add3A_25 = arith.addi %add3A_24, %mul3A_23 : i32
    %mul3A_26 = arith.constant 1280 : i32
    %mul3A_27 = arith.muli %arg1, %mul3A_26 : i32
    %add3A_28 = arith.constant 143360 : i32
    %add3A_29 = arith.addi %add3A_28, %mul3A_27 : i32
    %dma_start3A = arith.constant 0 : i32
    %dma_start3A_30 = tpu.memref_slice %arg4[%dma_start3A] : memref<1280xf32, #tpu.memory_space<vmem>> -> memref<1280xf32, #tpu.memory_space<vmem>>
    %dma_start3A_31 = tpu.memref_slice %arg2[%add3A_1] : memref<163840xf32, #tpu.memory_space<hbm>> -> memref<1280xf32, #tpu.memory_space<hbm>>
    %dma_start3A_32 = arith.constant 0 : i32
    %dma_start3A_33 = tpu.memref_slice %arg4[%dma_start3A_32] : memref<1280xf32, #tpu.memory_space<vmem>> -> memref<1280xf32, #tpu.memory_space<vmem>>
    %dma_start3A_34 = tpu.memref_slice %arg2[%add3A_1] : memref<163840xf32, #tpu.memory_space<hbm>> -> memref<1280xf32, #tpu.memory_space<hbm>>
    tpu.enqueue_dma source(%dma_start3A_34 : memref<1280xf32, #tpu.memory_space<hbm>>) target(%dma_start3A_33 : memref<1280xf32, #tpu.memory_space<vmem>>) target_semaphore(%arg16 : memref<!tpu.dma_semaphore, #tpu.memory_space<semaphore_mem>>)
    %dma_start3A_35 = arith.constant 0 : i32
    %dma_start3A_36 = tpu.memref_slice %arg5[%dma_start3A_35] : memref<1280xf32, #tpu.memory_space<vmem>> -> memref<1280xf32, #tpu.memory_space<vmem>>
    %dma_start3A_37 = tpu.memref_slice %arg2[%add3A_5] : memref<163840xf32, #tpu.memory_space<hbm>> -> memref<1280xf32, #tpu.memory_space<hbm>>
    %dma_start3A_38 = arith.constant 0 : i32
    %dma_start3A_39 = tpu.memref_slice %arg5[%dma_start3A_38] : memref<1280xf32, #tpu.memory_space<vmem>> -> memref<1280xf32, #tpu.memory_space<vmem>>
    %dma_start3A_40 = tpu.memref_slice %arg2[%add3A_5] : memref<163840xf32, #tpu.memory_space<hbm>> -> memref<1280xf32, #tpu.memory_space<hbm>>
    tpu.enqueue_dma source(%dma_start3A_40 : memref<1280xf32, #tpu.memory_space<hbm>>) target(%dma_start3A_39 : memref<1280xf32, #tpu.memory_space<vmem>>) target_semaphore(%arg16 : memref<!tpu.dma_semaphore, #tpu.memory_space<semaphore_mem>>)
    %dma_start3A_41 = arith.constant 0 : i32
    %dma_start3A_42 = tpu.memref_slice %arg6[%dma_start3A_41] : memref<1280xf32, #tpu.memory_space<vmem>> -> memref<1280xf32, #tpu.memory_space<vmem>>
    %dma_start3A_43 = tpu.memref_slice %arg2[%add3A_9] : memref<163840xf32, #tpu.memory_space<hbm>> -> memref<1280xf32, #tpu.memory_space<hbm>>
    %dma_start3A_44 = arith.constant 0 : i32
    %dma_start3A_45 = tpu.memref_slice %arg6[%dma_start3A_44] : memref<1280xf32, #tpu.memory_space<vmem>> -> memref<1280xf32, #tpu.memory_space<vmem>>
    %dma_start3A_46 = tpu.memref_slice %arg2[%add3A_9] : memref<163840xf32, #tpu.memory_space<hbm>> -> memref<1280xf32, #tpu.memory_space<hbm>>
    tpu.enqueue_dma source(%dma_start3A_46 : memref<1280xf32, #tpu.memory_space<hbm>>) target(%dma_start3A_45 : memref<1280xf32, #tpu.memory_space<vmem>>) target_semaphore(%arg17 : memref<!tpu.dma_semaphore, #tpu.memory_space<semaphore_mem>>)
    %dma_start3A_47 = arith.constant 0 : i32
    %dma_start3A_48 = tpu.memref_slice %arg7[%dma_start3A_47] : memref<1280xf32, #tpu.memory_space<vmem>> -> memref<1280xf32, #tpu.memory_space<vmem>>
    %dma_start3A_49 = tpu.memref_slice %arg2[%add3A_13] : memref<163840xf32, #tpu.memory_space<hbm>> -> memref<1280xf32, #tpu.memory_space<hbm>>
    %dma_start3A_50 = arith.constant 0 : i32
    %dma_start3A_51 = tpu.memref_slice %arg7[%dma_start3A_50] : memref<1280xf32, #tpu.memory_space<vmem>> -> memref<1280xf32, #tpu.memory_space<vmem>>
    %dma_start3A_52 = tpu.memref_slice %arg2[%add3A_13] : memref<163840xf32, #tpu.memory_space<hbm>> -> memref<1280xf32, #tpu.memory_space<hbm>>
    tpu.enqueue_dma source(%dma_start3A_52 : memref<1280xf32, #tpu.memory_space<hbm>>) target(%dma_start3A_51 : memref<1280xf32, #tpu.memory_space<vmem>>) target_semaphore(%arg17 : memref<!tpu.dma_semaphore, #tpu.memory_space<semaphore_mem>>)
    %dma_start3A_53 = arith.constant 0 : i32
    %dma_start3A_54 = tpu.memref_slice %arg8[%dma_start3A_53] : memref<1280xf32, #tpu.memory_space<vmem>> -> memref<1280xf32, #tpu.memory_space<vmem>>
    %dma_start3A_55 = tpu.memref_slice %arg2[%add3A_17] : memref<163840xf32, #tpu.memory_space<hbm>> -> memref<1280xf32, #tpu.memory_space<hbm>>
    %dma_start3A_56 = arith.constant 0 : i32
    %dma_start3A_57 = tpu.memref_slice %arg8[%dma_start3A_56] : memref<1280xf32, #tpu.memory_space<vmem>> -> memref<1280xf32, #tpu.memory_space<vmem>>
    %dma_start3A_58 = tpu.memref_slice %arg2[%add3A_17] : memref<163840xf32, #tpu.memory_space<hbm>> -> memref<1280xf32, #tpu.memory_space<hbm>>
    tpu.enqueue_dma source(%dma_start3A_58 : memref<1280xf32, #tpu.memory_space<hbm>>) target(%dma_start3A_57 : memref<1280xf32, #tpu.memory_space<vmem>>) target_semaphore(%arg17 : memref<!tpu.dma_semaphore, #tpu.memory_space<semaphore_mem>>)
    %dma_start3A_59 = arith.constant 0 : i32
    %dma_start3A_60 = tpu.memref_slice %arg9[%dma_start3A_59] : memref<1280xf32, #tpu.memory_space<vmem>> -> memref<1280xf32, #tpu.memory_space<vmem>>
    %dma_start3A_61 = tpu.memref_slice %arg2[%add3A_21] : memref<163840xf32, #tpu.memory_space<hbm>> -> memref<1280xf32, #tpu.memory_space<hbm>>
    %dma_start3A_62 = arith.constant 0 : i32
    %dma_start3A_63 = tpu.memref_slice %arg9[%dma_start3A_62] : memref<1280xf32, #tpu.memory_space<vmem>> -> memref<1280xf32, #tpu.memory_space<vmem>>
    %dma_start3A_64 = tpu.memref_slice %arg2[%add3A_21] : memref<163840xf32, #tpu.memory_space<hbm>> -> memref<1280xf32, #tpu.memory_space<hbm>>
    tpu.enqueue_dma source(%dma_start3A_64 : memref<1280xf32, #tpu.memory_space<hbm>>) target(%dma_start3A_63 : memref<1280xf32, #tpu.memory_space<vmem>>) target_semaphore(%arg17 : memref<!tpu.dma_semaphore, #tpu.memory_space<semaphore_mem>>)
    %dma_start3A_65 = arith.constant 0 : i32
    %dma_start3A_66 = tpu.memref_slice %arg10[%dma_start3A_65] : memref<1280xf32, #tpu.memory_space<vmem>> -> memref<1280xf32, #tpu.memory_space<vmem>>
    %dma_start3A_67 = tpu.memref_slice %arg2[%add3A_25] : memref<163840xf32, #tpu.memory_space<hbm>> -> memref<1280xf32, #tpu.memory_space<hbm>>
    %dma_start3A_68 = arith.constant 0 : i32
    %dma_start3A_69 = tpu.memref_slice %arg10[%dma_start3A_68] : memref<1280xf32, #tpu.memory_space<vmem>> -> memref<1280xf32, #tpu.memory_space<vmem>>
    %dma_start3A_70 = tpu.memref_slice %arg2[%add3A_25] : memref<163840xf32, #tpu.memory_space<hbm>> -> memref<1280xf32, #tpu.memory_space<hbm>>
    tpu.enqueue_dma source(%dma_start3A_70 : memref<1280xf32, #tpu.memory_space<hbm>>) target(%dma_start3A_69 : memref<1280xf32, #tpu.memory_space<vmem>>) target_semaphore(%arg17 : memref<!tpu.dma_semaphore, #tpu.memory_space<semaphore_mem>>)
    %dma_start3A_71 = arith.constant 0 : i32
    %dma_start3A_72 = tpu.memref_slice %arg11[%dma_start3A_71] : memref<1280xf32, #tpu.memory_space<vmem>> -> memref<1280xf32, #tpu.memory_space<vmem>>
    %dma_start3A_73 = tpu.memref_slice %arg2[%add3A_29] : memref<163840xf32, #tpu.memory_space<hbm>> -> memref<1280xf32, #tpu.memory_space<hbm>>
    %dma_start3A_74 = arith.constant 0 : i32
    %dma_start3A_75 = tpu.memref_slice %arg11[%dma_start3A_74] : memref<1280xf32, #tpu.memory_space<vmem>> -> memref<1280xf32, #tpu.memory_space<vmem>>
    %dma_start3A_76 = tpu.memref_slice %arg2[%add3A_29] : memref<163840xf32, #tpu.memory_space<hbm>> -> memref<1280xf32, #tpu.memory_space<hbm>>
    tpu.enqueue_dma source(%dma_start3A_76 : memref<1280xf32, #tpu.memory_space<hbm>>) target(%dma_start3A_75 : memref<1280xf32, #tpu.memory_space<vmem>>) target_semaphore(%arg17 : memref<!tpu.dma_semaphore, #tpu.memory_space<semaphore_mem>>)
    %dma_wait3A = arith.constant 0 : i32
    %dma_wait3A_77 = tpu.memref_slice %arg4[%dma_wait3A] : memref<1280xf32, #tpu.memory_space<vmem>> -> memref<1280xf32, #tpu.memory_space<vmem>>
    %dma_wait3A_78 = tpu.memref_slice %arg2[%add3A_1] : memref<163840xf32, #tpu.memory_space<hbm>> -> memref<1280xf32, #tpu.memory_space<hbm>>
    %dma_wait3A_79 = arith.constant 0 : i32
    %dma_wait3A_80 = tpu.memref_slice %arg4[%dma_wait3A_79] : memref<1280xf32, #tpu.memory_space<vmem>> -> memref<1280xf32, #tpu.memory_space<vmem>>
    %dma_wait3A_81 = tpu.memref_slice %arg2[%add3A_1] : memref<163840xf32, #tpu.memory_space<hbm>> -> memref<1280xf32, #tpu.memory_space<hbm>>
    tpu.wait_dma2 semaphore(%arg16 : memref<!tpu.dma_semaphore, #tpu.memory_space<semaphore_mem>>) src(%dma_wait3A_81 : memref<1280xf32, #tpu.memory_space<hbm>>) dst(%dma_wait3A_80 : memref<1280xf32, #tpu.memory_space<vmem>>)
    %dma_wait3A_82 = arith.constant 0 : i32
    %dma_wait3A_83 = tpu.memref_slice %arg5[%dma_wait3A_82] : memref<1280xf32, #tpu.memory_space<vmem>> -> memref<1280xf32, #tpu.memory_space<vmem>>
    %dma_wait3A_84 = tpu.memref_slice %arg2[%add3A_5] : memref<163840xf32, #tpu.memory_space<hbm>> -> memref<1280xf32, #tpu.memory_space<hbm>>
    %dma_wait3A_85 = arith.constant 0 : i32
    %dma_wait3A_86 = tpu.memref_slice %arg5[%dma_wait3A_85] : memref<1280xf32, #tpu.memory_space<vmem>> -> memref<1280xf32, #tpu.memory_space<vmem>>
    %dma_wait3A_87 = tpu.memref_slice %arg2[%add3A_5] : memref<163840xf32, #tpu.memory_space<hbm>> -> memref<1280xf32, #tpu.memory_space<hbm>>
    tpu.wait_dma2 semaphore(%arg16 : memref<!tpu.dma_semaphore, #tpu.memory_space<semaphore_mem>>) src(%dma_wait3A_87 : memref<1280xf32, #tpu.memory_space<hbm>>) dst(%dma_wait3A_86 : memref<1280xf32, #tpu.memory_space<vmem>>)
    %convert_element_type3A = arith.sitofp %arg0 : i32 to f32
    %mul3A_88 = arith.constant 1280 : i32
    %mul3A_89 = arith.muli %arg1, %mul3A_88 : i32
    %broadcast_in_dim3A = arith.constant 0xFF800000 : f32
    %broadcast_in_dim3A_90 = vector.broadcast %broadcast_in_dim3A : f32 to vector<16xf32>
    %broadcast_in_dim3A_91 = vector.broadcast %mul3A_89 : i32 to vector<16xi32>
    %scan3A = arith.constant 0xFF800000 : f32
    %scan3A_92 = arith.constant 0 : i32
    %scan3A_93 = arith.constant 40 : i32
    %scan3A_94 = arith.addi %scan3A_92, %scan3A_93 : i32
    %scan3A_95 = arith.constant 1 : i32
    %scan3A_96:4 = scf.for %scan3A_407 = %scan3A_92 to %scan3A_94 step %scan3A_95 iter_args(%scan3A_408 = %broadcast_in_dim3A_90, %scan3A_409 = %broadcast_in_dim3A_91, %scan3A_410 = %broadcast_in_dim3A_90, %scan3A_411 = %broadcast_in_dim3A_91) -> (vector<16xf32>, vector<16xi32>, vector<16xf32>, vector<16xi32>)  : i32 {
      %mul3A_412 = arith.constant 16 : i32
      %mul3A_413 = arith.muli %scan3A_407, %mul3A_412 : i32
      %add3A_414 = vector.broadcast %mul3A_413 : i32 to vector<16xi32>
      %add3A_415 = arith.addi %add3A_414, %iota3A : vector<16xi32>
      %add3A_416 = arith.constant 40 : i32
      %add3A_417 = arith.addi %scan3A_407, %add3A_416 : i32
      %mul3A_418 = arith.constant 16 : i32
      %mul3A_419 = arith.muli %add3A_417, %mul3A_418 : i32
      %add3A_420 = vector.broadcast %mul3A_419 : i32 to vector<16xi32>
      %add3A_421 = arith.addi %add3A_420, %iota3A : vector<16xi32>
      %gather3A_422 = tpu.vector_load_idx %arg4[%add3A_415] : memref<1280xf32, #tpu.memory_space<vmem>>[vector<16xi32>], vector<16xf32>,
      %gather3A_423 = tpu.vector_load_idx %arg5[%add3A_415] : memref<1280xf32, #tpu.memory_space<vmem>>[vector<16xi32>], vector<16xf32>,
      %eq3A_424 = vector.broadcast %convert_element_type3A : f32 to vector<16xf32>
      %eq3A_425 = arith.cmpf oeq, %gather3A_423, %eq3A_424 : vector<16xf32>
      %ge3A = arith.constant 0.000000e+00 : f32
      %ge3A_426 = vector.broadcast %ge3A : f32 to vector<16xf32>
      %ge3A_427 = arith.cmpf oge, %gather3A_422, %ge3A_426 : vector<16xf32>
      %and3A_428 = arith.andi %eq3A_425, %ge3A_427 : vector<16xi1>
      %broadcast_in_dim3A_429 = vector.broadcast %scan3A : f32 to vector<16xf32>
      %select_n3A_430 = arith.select %and3A_428, %gather3A_422, %broadcast_in_dim3A_429 : vector<16xi1>, vector<16xf32>
      tpu.vector_store_idx %arg12[%add3A_415], %select_n3A_430 : memref<1280xf32, #tpu.memory_space<vmem>>[vector<16xi32>], vector<16xf32>,
      %gt3A_431 = arith.cmpf ogt, %select_n3A_430, %scan3A_408 : vector<16xf32>
      %select_n3A_432 = arith.select %gt3A_431, %select_n3A_430, %scan3A_408 : vector<16xi1>, vector<16xf32>
      %add3A_433 = vector.broadcast %mul3A_89 : i32 to vector<16xi32>
      %add3A_434 = arith.addi %add3A_415, %add3A_433 : vector<16xi32>
      %select_n3A_435 = arith.select %gt3A_431, %add3A_434, %scan3A_409 : vector<16xi1>, vector<16xi32>
      %gather3A_436 = tpu.vector_load_idx %arg4[%add3A_421] : memref<1280xf32, #tpu.memory_space<vmem>>[vector<16xi32>], vector<16xf32>,
      %gather3A_437 = tpu.vector_load_idx %arg5[%add3A_421] : memref<1280xf32, #tpu.memory_space<vmem>>[vector<16xi32>], vector<16xf32>,
      %eq3A_438 = vector.broadcast %convert_element_type3A : f32 to vector<16xf32>
      %eq3A_439 = arith.cmpf oeq, %gather3A_437, %eq3A_438 : vector<16xf32>
      %ge3A_440 = arith.constant 0.000000e+00 : f32
      %ge3A_441 = vector.broadcast %ge3A_440 : f32 to vector<16xf32>
      %ge3A_442 = arith.cmpf oge, %gather3A_436, %ge3A_441 : vector<16xf32>
      %and3A_443 = arith.andi %eq3A_439, %ge3A_442 : vector<16xi1>
      %broadcast_in_dim3A_444 = vector.broadcast %scan3A : f32 to vector<16xf32>
      %select_n3A_445 = arith.select %and3A_443, %gather3A_436, %broadcast_in_dim3A_444 : vector<16xi1>, vector<16xf32>
      tpu.vector_store_idx %arg12[%add3A_421], %select_n3A_445 : memref<1280xf32, #tpu.memory_space<vmem>>[vector<16xi32>], vector<16xf32>,
      %gt3A_446 = arith.cmpf ogt, %select_n3A_445, %scan3A_410 : vector<16xf32>
      %select_n3A_447 = arith.select %gt3A_446, %select_n3A_445, %scan3A_410 : vector<16xi1>, vector<16xf32>
      %add3A_448 = vector.broadcast %mul3A_89 : i32 to vector<16xi32>
      %add3A_449 = arith.addi %add3A_421, %add3A_448 : vector<16xi32>
      %select_n3A_450 = arith.select %gt3A_446, %add3A_449, %scan3A_411 : vector<16xi1>, vector<16xi32>
      scf.yield %select_n3A_432, %select_n3A_435, %select_n3A_447, %select_n3A_450 : vector<16xf32>, vector<16xi32>, vector<16xf32>, vector<16xi32>
    }
    %scan3A_97 = arith.constant 40 : i32
    %gt3A = arith.cmpf ogt, %scan3A_96#2, %scan3A_96#0 : vector<16xf32>
    %select_n3A = arith.select %gt3A, %scan3A_96#2, %scan3A_96#0 : vector<16xi1>, vector<16xf32>
    %select_n3A_98 = arith.select %gt3A, %scan3A_96#3, %scan3A_96#1 : vector<16xi1>, vector<16xi32>
    %dma_wait3A_99 = arith.constant 0 : i32
    %dma_wait3A_100 = tpu.memref_slice %arg6[%dma_wait3A_99] : memref<1280xf32, #tpu.memory_space<vmem>> -> memref<1280xf32, #tpu.memory_space<vmem>>
    %dma_wait3A_101 = tpu.memref_slice %arg2[%add3A_9] : memref<163840xf32, #tpu.memory_space<hbm>> -> memref<1280xf32, #tpu.memory_space<hbm>>
    %dma_wait3A_102 = arith.constant 0 : i32
    %dma_wait3A_103 = tpu.memref_slice %arg6[%dma_wait3A_102] : memref<1280xf32, #tpu.memory_space<vmem>> -> memref<1280xf32, #tpu.memory_space<vmem>>
    %dma_wait3A_104 = tpu.memref_slice %arg2[%add3A_9] : memref<163840xf32, #tpu.memory_space<hbm>> -> memref<1280xf32, #tpu.memory_space<hbm>>
    tpu.wait_dma2 semaphore(%arg17 : memref<!tpu.dma_semaphore, #tpu.memory_space<semaphore_mem>>) src(%dma_wait3A_104 : memref<1280xf32, #tpu.memory_space<hbm>>) dst(%dma_wait3A_103 : memref<1280xf32, #tpu.memory_space<vmem>>)
    %dma_wait3A_105 = arith.constant 0 : i32
    %dma_wait3A_106 = tpu.memref_slice %arg7[%dma_wait3A_105] : memref<1280xf32, #tpu.memory_space<vmem>> -> memref<1280xf32, #tpu.memory_space<vmem>>
    %dma_wait3A_107 = tpu.memref_slice %arg2[%add3A_13] : memref<163840xf32, #tpu.memory_space<hbm>> -> memref<1280xf32, #tpu.memory_space<hbm>>
    %dma_wait3A_108 = arith.constant 0 : i32
    %dma_wait3A_109 = tpu.memref_slice %arg7[%dma_wait3A_108] : memref<1280xf32, #tpu.memory_space<vmem>> -> memref<1280xf32, #tpu.memory_space<vmem>>
    %dma_wait3A_110 = tpu.memref_slice %arg2[%add3A_13] : memref<163840xf32, #tpu.memory_space<hbm>> -> memref<1280xf32, #tpu.memory_space<hbm>>
    tpu.wait_dma2 semaphore(%arg17 : memref<!tpu.dma_semaphore, #tpu.memory_space<semaphore_mem>>) src(%dma_wait3A_110 : memref<1280xf32, #tpu.memory_space<hbm>>) dst(%dma_wait3A_109 : memref<1280xf32, #tpu.memory_space<vmem>>)
    %dma_wait3A_111 = arith.constant 0 : i32
    %dma_wait3A_112 = tpu.memref_slice %arg8[%dma_wait3A_111] : memref<1280xf32, #tpu.memory_space<vmem>> -> memref<1280xf32, #tpu.memory_space<vmem>>
    %dma_wait3A_113 = tpu.memref_slice %arg2[%add3A_17] : memref<163840xf32, #tpu.memory_space<hbm>> -> memref<1280xf32, #tpu.memory_space<hbm>>
    %dma_wait3A_114 = arith.constant 0 : i32
    %dma_wait3A_115 = tpu.memref_slice %arg8[%dma_wait3A_114] : memref<1280xf32, #tpu.memory_space<vmem>> -> memref<1280xf32, #tpu.memory_space<vmem>>
    %dma_wait3A_116 = tpu.memref_slice %arg2[%add3A_17] : memref<163840xf32, #tpu.memory_space<hbm>> -> memref<1280xf32, #tpu.memory_space<hbm>>
    tpu.wait_dma2 semaphore(%arg17 : memref<!tpu.dma_semaphore, #tpu.memory_space<semaphore_mem>>) src(%dma_wait3A_116 : memref<1280xf32, #tpu.memory_space<hbm>>) dst(%dma_wait3A_115 : memref<1280xf32, #tpu.memory_space<vmem>>)
    %dma_wait3A_117 = arith.constant 0 : i32
    %dma_wait3A_118 = tpu.memref_slice %arg9[%dma_wait3A_117] : memref<1280xf32, #tpu.memory_space<vmem>> -> memref<1280xf32, #tpu.memory_space<vmem>>
    %dma_wait3A_119 = tpu.memref_slice %arg2[%add3A_21] : memref<163840xf32, #tpu.memory_space<hbm>> -> memref<1280xf32, #tpu.memory_space<hbm>>
    %dma_wait3A_120 = arith.constant 0 : i32
    %dma_wait3A_121 = tpu.memref_slice %arg9[%dma_wait3A_120] : memref<1280xf32, #tpu.memory_space<vmem>> -> memref<1280xf32, #tpu.memory_space<vmem>>
    %dma_wait3A_122 = tpu.memref_slice %arg2[%add3A_21] : memref<163840xf32, #tpu.memory_space<hbm>> -> memref<1280xf32, #tpu.memory_space<hbm>>
    tpu.wait_dma2 semaphore(%arg17 : memref<!tpu.dma_semaphore, #tpu.memory_space<semaphore_mem>>) src(%dma_wait3A_122 : memref<1280xf32, #tpu.memory_space<hbm>>) dst(%dma_wait3A_121 : memref<1280xf32, #tpu.memory_space<vmem>>)
    %dma_wait3A_123 = arith.constant 0 : i32
    %dma_wait3A_124 = tpu.memref_slice %arg10[%dma_wait3A_123] : memref<1280xf32, #tpu.memory_space<vmem>> -> memref<1280xf32, #tpu.memory_space<vmem>>
    %dma_wait3A_125 = tpu.memref_slice %arg2[%add3A_25] : memref<163840xf32, #tpu.memory_space<hbm>> -> memref<1280xf32, #tpu.memory_space<hbm>>
    %dma_wait3A_126 = arith.constant 0 : i32
    %dma_wait3A_127 = tpu.memref_slice %arg10[%dma_wait3A_126] : memref<1280xf32, #tpu.memory_space<vmem>> -> memref<1280xf32, #tpu.memory_space<vmem>>
    %dma_wait3A_128 = tpu.memref_slice %arg2[%add3A_25] : memref<163840xf32, #tpu.memory_space<hbm>> -> memref<1280xf32, #tpu.memory_space<hbm>>
    tpu.wait_dma2 semaphore(%arg17 : memref<!tpu.dma_semaphore, #tpu.memory_space<semaphore_mem>>) src(%dma_wait3A_128 : memref<1280xf32, #tpu.memory_space<hbm>>) dst(%dma_wait3A_127 : memref<1280xf32, #tpu.memory_space<vmem>>)
    %dma_wait3A_129 = arith.constant 0 : i32
    %dma_wait3A_130 = tpu.memref_slice %arg11[%dma_wait3A_129] : memref<1280xf32, #tpu.memory_space<vmem>> -> memref<1280xf32, #tpu.memory_space<vmem>>
    %dma_wait3A_131 = tpu.memref_slice %arg2[%add3A_29] : memref<163840xf32, #tpu.memory_space<hbm>> -> memref<1280xf32, #tpu.memory_space<hbm>>
    %dma_wait3A_132 = arith.constant 0 : i32
    %dma_wait3A_133 = tpu.memref_slice %arg11[%dma_wait3A_132] : memref<1280xf32, #tpu.memory_space<vmem>> -> memref<1280xf32, #tpu.memory_space<vmem>>
    %dma_wait3A_134 = tpu.memref_slice %arg2[%add3A_29] : memref<163840xf32, #tpu.memory_space<hbm>> -> memref<1280xf32, #tpu.memory_space<hbm>>
    tpu.wait_dma2 semaphore(%arg17 : memref<!tpu.dma_semaphore, #tpu.memory_space<semaphore_mem>>) src(%dma_wait3A_134 : memref<1280xf32, #tpu.memory_space<hbm>>) dst(%dma_wait3A_133 : memref<1280xf32, #tpu.memory_space<vmem>>)
    %reduce_max3A = arith.constant true
    %reduce_max3A_135 = vector.broadcast %reduce_max3A : i1 to vector<16xi1>
    %reduce_max3A_136 = tpu.scan <max>, %select_n3A masked %reduce_max3A_135 : vector<16xf32>, vector<16xi1> -> vector<16xf32>
    %reduce_max3A_137 = vector.extract %reduce_max3A_136[15] : f32 from vector<16xf32>
    %eq3A = vector.broadcast %reduce_max3A_137 : f32 to vector<16xf32>
    %eq3A_138 = arith.cmpf oeq, %select_n3A, %eq3A : vector<16xf32>
    %jit3A = arith.constant 1073741824 : i32
    %broadcast_in_dim3A_139 = vector.broadcast %jit3A : i32 to vector<16xi32>
    %select_n3A_140 = arith.select %eq3A_138, %select_n3A_98, %broadcast_in_dim3A_139 : vector<16xi1>, vector<16xi32>
    %reduce_min3A = arith.constant true
    %reduce_min3A_141 = vector.broadcast %reduce_min3A : i1 to vector<16xi1>
    %reduce_min3A_142 = arith.constant -2147483648 : i32
    %reduce_min3A_143 = vector.broadcast %reduce_min3A_142 : i32 to vector<16xi32>
    %reduce_min3A_144 = arith.xori %select_n3A_140, %reduce_min3A_143 : vector<16xi32>
    %reduce_min3A_145 = tpu.scan <min>, %reduce_min3A_144 masked %reduce_min3A_141 : vector<16xi32>, vector<16xi1> -> vector<16xi32>
    %reduce_min3A_146 = arith.xori %reduce_min3A_145, %reduce_min3A_143 : vector<16xi32>
    %reduce_min3A_147 = vector.extract %reduce_min3A_146[15] : i32 from vector<16xi32>
    %sub3A = arith.subi %reduce_min3A_147, %mul3A_89 : i32
    %broadcast_in_dim3A_148 = vector.broadcast %sub3A : i32 to vector<16xi32>
    %eq3A_149 = arith.constant 0 : i32
    %eq3A_150 = vector.broadcast %eq3A_149 : i32 to vector<16xi32>
    %eq3A_151 = arith.cmpi eq, %iota3A, %eq3A_150 : vector<16xi32>
    %convert_element_type3A_152 = arith.sitofp %reduce_min3A_147 : i32 to f32
    %broadcast_in_dim3A_153 = vector.broadcast %reduce_max3A_137 : f32 to vector<16xf32>
    %broadcast_in_dim3A_154 = vector.broadcast %convert_element_type3A_152 : f32 to vector<16xf32>
    %select_n3A_155 = arith.select %eq3A_151, %broadcast_in_dim3A_153, %broadcast_in_dim3A_154 : vector<16xi1>, vector<16xf32>
    %eq3A_156 = arith.constant 2 : i32
    %eq3A_157 = vector.broadcast %eq3A_156 : i32 to vector<16xi32>
    %eq3A_158 = arith.cmpi eq, %iota3A, %eq3A_157 : vector<16xi32>
    %gather3A = tpu.vector_load_idx %arg4[%broadcast_in_dim3A_148] : memref<1280xf32, #tpu.memory_space<vmem>>[vector<16xi32>], vector<16xf32>,
    %select_n3A_159 = arith.select %eq3A_158, %gather3A, %select_n3A_155 : vector<16xi1>, vector<16xf32>
    %eq3A_160 = arith.constant 3 : i32
    %eq3A_161 = vector.broadcast %eq3A_160 : i32 to vector<16xi32>
    %eq3A_162 = arith.cmpi eq, %iota3A, %eq3A_161 : vector<16xi32>
    %gather3A_163 = tpu.vector_load_idx %arg5[%broadcast_in_dim3A_148] : memref<1280xf32, #tpu.memory_space<vmem>>[vector<16xi32>], vector<16xf32>,
    %select_n3A_164 = arith.select %eq3A_162, %gather3A_163, %select_n3A_159 : vector<16xi1>, vector<16xf32>
    %eq3A_165 = arith.constant 4 : i32
    %eq3A_166 = vector.broadcast %eq3A_165 : i32 to vector<16xi32>
    %eq3A_167 = arith.cmpi eq, %iota3A, %eq3A_166 : vector<16xi32>
    %gather3A_168 = tpu.vector_load_idx %arg6[%broadcast_in_dim3A_148] : memref<1280xf32, #tpu.memory_space<vmem>>[vector<16xi32>], vector<16xf32>,
    %select_n3A_169 = arith.select %eq3A_167, %gather3A_168, %select_n3A_164 : vector<16xi1>, vector<16xf32>
    %eq3A_170 = arith.constant 5 : i32
    %eq3A_171 = vector.broadcast %eq3A_170 : i32 to vector<16xi32>
    %eq3A_172 = arith.cmpi eq, %iota3A, %eq3A_171 : vector<16xi32>
    %gather3A_173 = tpu.vector_load_idx %arg7[%broadcast_in_dim3A_148] : memref<1280xf32, #tpu.memory_space<vmem>>[vector<16xi32>], vector<16xf32>,
    %select_n3A_174 = arith.select %eq3A_172, %gather3A_173, %select_n3A_169 : vector<16xi1>, vector<16xf32>
    %eq3A_175 = arith.constant 6 : i32
    %eq3A_176 = vector.broadcast %eq3A_175 : i32 to vector<16xi32>
    %eq3A_177 = arith.cmpi eq, %iota3A, %eq3A_176 : vector<16xi32>
    %gather3A_178 = tpu.vector_load_idx %arg8[%broadcast_in_dim3A_148] : memref<1280xf32, #tpu.memory_space<vmem>>[vector<16xi32>], vector<16xf32>,
    %select_n3A_179 = arith.select %eq3A_177, %gather3A_178, %select_n3A_174 : vector<16xi1>, vector<16xf32>
    %eq3A_180 = arith.constant 7 : i32
    %eq3A_181 = vector.broadcast %eq3A_180 : i32 to vector<16xi32>
    %eq3A_182 = arith.cmpi eq, %iota3A, %eq3A_181 : vector<16xi32>
    %gather3A_183 = tpu.vector_load_idx %arg9[%broadcast_in_dim3A_148] : memref<1280xf32, #tpu.memory_space<vmem>>[vector<16xi32>], vector<16xf32>,
    %select_n3A_184 = arith.select %eq3A_182, %gather3A_183, %select_n3A_179 : vector<16xi1>, vector<16xf32>
    %eq3A_185 = arith.constant 8 : i32
    %eq3A_186 = vector.broadcast %eq3A_185 : i32 to vector<16xi32>
    %eq3A_187 = arith.cmpi eq, %iota3A, %eq3A_186 : vector<16xi32>
    %gather3A_188 = tpu.vector_load_idx %arg10[%broadcast_in_dim3A_148] : memref<1280xf32, #tpu.memory_space<vmem>>[vector<16xi32>], vector<16xf32>,
    %select_n3A_189 = arith.select %eq3A_187, %gather3A_188, %select_n3A_184 : vector<16xi1>, vector<16xf32>
    %eq3A_190 = arith.constant 9 : i32
    %eq3A_191 = vector.broadcast %eq3A_190 : i32 to vector<16xi32>
    %eq3A_192 = arith.cmpi eq, %iota3A, %eq3A_191 : vector<16xi32>
    %gather3A_193 = tpu.vector_load_idx %arg11[%broadcast_in_dim3A_148] : memref<1280xf32, #tpu.memory_space<vmem>>[vector<16xi32>], vector<16xf32>,
    %select_n3A_194 = arith.select %eq3A_192, %gather3A_193, %select_n3A_189 : vector<16xi1>, vector<16xf32>
    %swap3A = arith.constant 0 : index
    %swap3A_195 = tpu.vector_load %arg13[%swap3A] {strides = array<i32>} : memref<16xf32, #tpu.memory_space<vmem>>, vector<16xf32>,
    tpu.vector_store %arg13[%swap3A], %select_n3A_194 {strides = array<i32>} : memref<16xf32, #tpu.memory_space<vmem>>, vector<16xf32>,
    %mul3A_196 = arith.constant 16 : i32
    %mul3A_197 = arith.muli %arg1, %mul3A_196 : i32
    %add3A_198 = arith.constant 0 : i32
    %add3A_199 = arith.addi %add3A_198, %mul3A_197 : i32
    "tpu.region"() ({
      %run_scoped3A = tpu.sem_alloc : memref<!tpu.dma_semaphore, #tpu.memory_space<semaphore_mem>>
      %dma_start3A_407 = tpu.memref_slice %arg18[%add3A_199] : memref<512xf32, #tpu.memory_space<vmem_shared>> -> memref<16xf32, #tpu.memory_space<vmem_shared>>
      %dma_start3A_408 = tpu.memref_slice %arg18[%add3A_199] : memref<512xf32, #tpu.memory_space<vmem_shared>> -> memref<16xf32, #tpu.memory_space<vmem_shared>>
      tpu.enqueue_dma source(%arg13 : memref<16xf32, #tpu.memory_space<vmem>>) target(%dma_start3A_408 : memref<16xf32, #tpu.memory_space<vmem_shared>>) target_semaphore(%run_scoped3A : memref<!tpu.dma_semaphore, #tpu.memory_space<semaphore_mem>>)
      %dma_wait3A_409 = tpu.memref_slice %arg18[%add3A_199] : memref<512xf32, #tpu.memory_space<vmem_shared>> -> memref<16xf32, #tpu.memory_space<vmem_shared>>
      %dma_wait3A_410 = tpu.memref_slice %arg18[%add3A_199] : memref<512xf32, #tpu.memory_space<vmem_shared>> -> memref<16xf32, #tpu.memory_space<vmem_shared>>
      tpu.wait_dma2 semaphore(%run_scoped3A : memref<!tpu.dma_semaphore, #tpu.memory_space<semaphore_mem>>) src(%arg13 : memref<16xf32, #tpu.memory_space<vmem>>) dst(%dma_wait3A_410 : memref<16xf32, #tpu.memory_space<vmem_shared>>)
      tpu.yield
    }) : () -> ()
    %barrier3A = arith.constant 0 : index
    tpu.barrier barrier_id(%barrier3A)
    "tpu.region"() ({
      %run_scoped3A = tpu.sem_alloc : memref<!tpu.dma_semaphore, #tpu.memory_space<semaphore_mem>>
      %dma_start3A_407 = arith.constant 0 : i32
      %dma_start3A_408 = tpu.memref_slice %arg18[%dma_start3A_407] : memref<512xf32, #tpu.memory_space<vmem_shared>> -> memref<256xf32, #tpu.memory_space<vmem_shared>>
      %dma_start3A_409 = arith.constant 0 : i32
      %dma_start3A_410 = tpu.memref_slice %arg18[%dma_start3A_409] : memref<512xf32, #tpu.memory_space<vmem_shared>> -> memref<256xf32, #tpu.memory_space<vmem_shared>>
      tpu.enqueue_dma source(%dma_start3A_410 : memref<256xf32, #tpu.memory_space<vmem_shared>>) target(%arg14 : memref<256xf32, #tpu.memory_space<vmem>>) target_semaphore(%run_scoped3A : memref<!tpu.dma_semaphore, #tpu.memory_space<semaphore_mem>>)
      %dma_wait3A_411 = arith.constant 0 : i32
      %dma_wait3A_412 = tpu.memref_slice %arg18[%dma_wait3A_411] : memref<512xf32, #tpu.memory_space<vmem_shared>> -> memref<256xf32, #tpu.memory_space<vmem_shared>>
      %dma_wait3A_413 = arith.constant 0 : i32
      %dma_wait3A_414 = tpu.memref_slice %arg18[%dma_wait3A_413] : memref<512xf32, #tpu.memory_space<vmem_shared>> -> memref<256xf32, #tpu.memory_space<vmem_shared>>
      tpu.wait_dma2 semaphore(%run_scoped3A : memref<!tpu.dma_semaphore, #tpu.memory_space<semaphore_mem>>) src(%dma_wait3A_414 : memref<256xf32, #tpu.memory_space<vmem_shared>>) dst(%arg14 : memref<256xf32, #tpu.memory_space<vmem>>)
      tpu.yield
    }) : () -> ()
    %mul3A_200 = arith.constant 16 : i32
    %mul3A_201 = vector.broadcast %mul3A_200 : i32 to vector<16xi32>
    %mul3A_202 = arith.muli %iota3A, %mul3A_201 : vector<16xi32>
    %gather3A_203 = tpu.vector_load_idx %arg14[%mul3A_202] : memref<256xf32, #tpu.memory_space<vmem>>[vector<16xi32>], vector<16xf32>,
    %mul3A_204 = arith.constant 16 : i32
    %mul3A_205 = vector.broadcast %mul3A_204 : i32 to vector<16xi32>
    %mul3A_206 = arith.muli %iota3A, %mul3A_205 : vector<16xi32>
    %add3A_207 = arith.constant 1 : i32
    %add3A_208 = vector.broadcast %add3A_207 : i32 to vector<16xi32>
    %add3A_209 = arith.addi %mul3A_206, %add3A_208 : vector<16xi32>
    %gather3A_210 = tpu.vector_load_idx %arg14[%add3A_209] : memref<256xf32, #tpu.memory_space<vmem>>[vector<16xi32>], vector<16xf32>,
    %reduce_max3A_211 = arith.constant true
    %reduce_max3A_212 = vector.broadcast %reduce_max3A_211 : i1 to vector<16xi1>
    %reduce_max3A_213 = tpu.scan <max>, %gather3A_203 masked %reduce_max3A_212 : vector<16xf32>, vector<16xi1> -> vector<16xf32>
    %reduce_max3A_214 = vector.extract %reduce_max3A_213[15] : f32 from vector<16xf32>
    %eq3A_215 = vector.broadcast %reduce_max3A_214 : f32 to vector<16xf32>
    %eq3A_216 = arith.cmpf oeq, %gather3A_203, %eq3A_215 : vector<16xf32>
    %jit3A_217 = arith.constant 1.000000e+30 : f32
    %broadcast_in_dim3A_218 = vector.broadcast %jit3A_217 : f32 to vector<16xf32>
    %select_n3A_219 = arith.select %eq3A_216, %gather3A_210, %broadcast_in_dim3A_218 : vector<16xi1>, vector<16xf32>
    %reduce_min3A_220 = arith.constant true
    %reduce_min3A_221 = vector.broadcast %reduce_min3A_220 : i1 to vector<16xi1>
    %reduce_min3A_222 = tpu.scan <min>, %select_n3A_219 masked %reduce_min3A_221 : vector<16xf32>, vector<16xi1> -> vector<16xf32>
    %reduce_min3A_223 = vector.extract %reduce_min3A_222[15] : f32 from vector<16xf32>
    %eq3A_224 = vector.broadcast %reduce_max3A_214 : f32 to vector<16xf32>
    %eq3A_225 = arith.cmpf oeq, %gather3A_203, %eq3A_224 : vector<16xf32>
    %eq3A_226 = vector.broadcast %reduce_min3A_223 : f32 to vector<16xf32>
    %eq3A_227 = arith.cmpf oeq, %gather3A_210, %eq3A_226 : vector<16xf32>
    %and3A = arith.andi %eq3A_225, %eq3A_227 : vector<16xi1>
    %jit3A_228 = arith.constant 16 : i32
    %broadcast_in_dim3A_229 = vector.broadcast %jit3A_228 : i32 to vector<16xi32>
    %select_n3A_230 = arith.select %and3A, %iota3A, %broadcast_in_dim3A_229 : vector<16xi1>, vector<16xi32>
    %reduce_min3A_231 = arith.constant true
    %reduce_min3A_232 = vector.broadcast %reduce_min3A_231 : i1 to vector<16xi1>
    %reduce_min3A_233 = arith.constant -2147483648 : i32
    %reduce_min3A_234 = vector.broadcast %reduce_min3A_233 : i32 to vector<16xi32>
    %reduce_min3A_235 = arith.xori %select_n3A_230, %reduce_min3A_234 : vector<16xi32>
    %reduce_min3A_236 = tpu.scan <min>, %reduce_min3A_235 masked %reduce_min3A_232 : vector<16xi32>, vector<16xi1> -> vector<16xi32>
    %reduce_min3A_237 = arith.xori %reduce_min3A_236, %reduce_min3A_234 : vector<16xi32>
    %reduce_min3A_238 = vector.extract %reduce_min3A_237[15] : i32 from vector<16xi32>
    %broadcast_in_dim3A_239 = vector.broadcast %reduce_min3A_238 : i32 to vector<16xi32>
    %mul3A_240 = arith.constant 16 : i32
    %mul3A_241 = vector.broadcast %mul3A_240 : i32 to vector<16xi32>
    %mul3A_242 = arith.muli %broadcast_in_dim3A_239, %mul3A_241 : vector<16xi32>
    %add3A_243 = arith.constant 4 : i32
    %add3A_244 = vector.broadcast %add3A_243 : i32 to vector<16xi32>
    %add3A_245 = arith.addi %mul3A_242, %add3A_244 : vector<16xi32>
    %add3A_246 = arith.constant 0 : i32
    %add3A_247 = vector.broadcast %add3A_246 : i32 to vector<16xi32>
    %add3A_248 = arith.addi %add3A_245, %add3A_247 : vector<16xi32>
    %gather3A_249 = tpu.vector_load_idx %arg14[%add3A_248] : memref<256xf32, #tpu.memory_space<vmem>>[vector<16xi32>], vector<16xf32>,
    %mul3A_250 = arith.constant 16 : i32
    %mul3A_251 = vector.broadcast %mul3A_250 : i32 to vector<16xi32>
    %mul3A_252 = arith.muli %broadcast_in_dim3A_239, %mul3A_251 : vector<16xi32>
    %add3A_253 = arith.constant 4 : i32
    %add3A_254 = vector.broadcast %add3A_253 : i32 to vector<16xi32>
    %add3A_255 = arith.addi %mul3A_252, %add3A_254 : vector<16xi32>
    %add3A_256 = arith.constant 1 : i32
    %add3A_257 = vector.broadcast %add3A_256 : i32 to vector<16xi32>
    %add3A_258 = arith.addi %add3A_255, %add3A_257 : vector<16xi32>
    %gather3A_259 = tpu.vector_load_idx %arg14[%add3A_258] : memref<256xf32, #tpu.memory_space<vmem>>[vector<16xi32>], vector<16xf32>,
    %mul3A_260 = arith.constant 16 : i32
    %mul3A_261 = vector.broadcast %mul3A_260 : i32 to vector<16xi32>
    %mul3A_262 = arith.muli %broadcast_in_dim3A_239, %mul3A_261 : vector<16xi32>
    %add3A_263 = arith.constant 4 : i32
    %add3A_264 = vector.broadcast %add3A_263 : i32 to vector<16xi32>
    %add3A_265 = arith.addi %mul3A_262, %add3A_264 : vector<16xi32>
    %add3A_266 = arith.constant 2 : i32
    %add3A_267 = vector.broadcast %add3A_266 : i32 to vector<16xi32>
    %add3A_268 = arith.addi %add3A_265, %add3A_267 : vector<16xi32>
    %gather3A_269 = tpu.vector_load_idx %arg14[%add3A_268] : memref<256xf32, #tpu.memory_space<vmem>>[vector<16xi32>], vector<16xf32>,
    %mul3A_270 = arith.constant 16 : i32
    %mul3A_271 = vector.broadcast %mul3A_270 : i32 to vector<16xi32>
    %mul3A_272 = arith.muli %broadcast_in_dim3A_239, %mul3A_271 : vector<16xi32>
    %add3A_273 = arith.constant 4 : i32
    %add3A_274 = vector.broadcast %add3A_273 : i32 to vector<16xi32>
    %add3A_275 = arith.addi %mul3A_272, %add3A_274 : vector<16xi32>
    %add3A_276 = arith.constant 3 : i32
    %add3A_277 = vector.broadcast %add3A_276 : i32 to vector<16xi32>
    %add3A_278 = arith.addi %add3A_275, %add3A_277 : vector<16xi32>
    %gather3A_279 = tpu.vector_load_idx %arg14[%add3A_278] : memref<256xf32, #tpu.memory_space<vmem>>[vector<16xi32>], vector<16xf32>,
    %mul3A_280 = arith.constant 16 : i32
    %mul3A_281 = vector.broadcast %mul3A_280 : i32 to vector<16xi32>
    %mul3A_282 = arith.muli %broadcast_in_dim3A_239, %mul3A_281 : vector<16xi32>
    %add3A_283 = arith.constant 4 : i32
    %add3A_284 = vector.broadcast %add3A_283 : i32 to vector<16xi32>
    %add3A_285 = arith.addi %mul3A_282, %add3A_284 : vector<16xi32>
    %add3A_286 = arith.constant 4 : i32
    %add3A_287 = vector.broadcast %add3A_286 : i32 to vector<16xi32>
    %add3A_288 = arith.addi %add3A_285, %add3A_287 : vector<16xi32>
    %gather3A_289 = tpu.vector_load_idx %arg14[%add3A_288] : memref<256xf32, #tpu.memory_space<vmem>>[vector<16xi32>], vector<16xf32>,
    %mul3A_290 = arith.constant 16 : i32
    %mul3A_291 = vector.broadcast %mul3A_290 : i32 to vector<16xi32>
    %mul3A_292 = arith.muli %broadcast_in_dim3A_239, %mul3A_291 : vector<16xi32>
    %add3A_293 = arith.constant 4 : i32
    %add3A_294 = vector.broadcast %add3A_293 : i32 to vector<16xi32>
    %add3A_295 = arith.addi %mul3A_292, %add3A_294 : vector<16xi32>
    %add3A_296 = arith.constant 5 : i32
    %add3A_297 = vector.broadcast %add3A_296 : i32 to vector<16xi32>
    %add3A_298 = arith.addi %add3A_295, %add3A_297 : vector<16xi32>
    %gather3A_299 = tpu.vector_load_idx %arg14[%add3A_298] : memref<256xf32, #tpu.memory_space<vmem>>[vector<16xi32>], vector<16xf32>,
    %sub3A_300 = arith.subf %gather3A_279, %gather3A_249 : vector<16xf32>
    %max3A = arith.constant 0.000000e+00 : f32
    %max3A_301 = vector.broadcast %max3A : f32 to vector<16xf32>
    %max3A_302 = arith.maximumf %sub3A_300, %max3A_301 : vector<16xf32>
    %sub3A_303 = arith.subf %gather3A_289, %gather3A_259 : vector<16xf32>
    %max3A_304 = arith.constant 0.000000e+00 : f32
    %max3A_305 = vector.broadcast %max3A_304 : f32 to vector<16xf32>
    %max3A_306 = arith.maximumf %sub3A_303, %max3A_305 : vector<16xf32>
    %mul3A_307 = arith.mulf %max3A_302, %max3A_306 : vector<16xf32>
    %sub3A_308 = arith.subf %gather3A_299, %gather3A_269 : vector<16xf32>
    %max3A_309 = arith.constant 0.000000e+00 : f32
    %max3A_310 = vector.broadcast %max3A_309 : f32 to vector<16xf32>
    %max3A_311 = arith.maximumf %sub3A_308, %max3A_310 : vector<16xf32>
    %mul3A_312 = arith.mulf %mul3A_307, %max3A_311 : vector<16xf32>
    %eq3A_313 = arith.constant 0 : i32
    %eq3A_314 = arith.cmpi eq, %arg1, %eq3A_313 : i32
    %convert_element_type3A_315 = arith.extui %eq3A_314 : i1 to i32
    %cond3A = arith.constant 0 : i32
    %cond3A_316 = arith.cmpi ne, %convert_element_type3A_315, %cond3A : i32
    scf.if %cond3A_316 {
      %mul3A_407 = arith.constant 16 : i32
      %mul3A_408 = vector.broadcast %mul3A_407 : i32 to vector<16xi32>
      %mul3A_409 = arith.muli %broadcast_in_dim3A_239, %mul3A_408 : vector<16xi32>
      %add3A_410 = arith.addi %mul3A_409, %iota3A : vector<16xi32>
      %add3A_411 = arith.constant 2 : i32
      %add3A_412 = vector.broadcast %add3A_411 : i32 to vector<16xi32>
      %add3A_413 = arith.addi %add3A_410, %add3A_412 : vector<16xi32>
      %lt3A = arith.constant 8 : i32
      %lt3A_414 = vector.broadcast %lt3A : i32 to vector<16xi32>
      %lt3A_415 = arith.cmpi slt, %iota3A, %lt3A_414 : vector<16xi32>
      %gather3A_416 = tpu.vector_load_idx %arg14[%add3A_413] masked %lt3A_415 : memref<256xf32, #tpu.memory_space<vmem>>[vector<16xi32>], vector<16xf32>, vector<16xi1>
      %add3A_417 = arith.constant 0 : i32
      %add3A_418 = vector.broadcast %add3A_417 : i32 to vector<16xi32>
      %add3A_419 = arith.addi %iota3A, %add3A_418 : vector<16xi32>
      %lt3A_420 = arith.constant 8 : i32
      %lt3A_421 = vector.broadcast %lt3A_420 : i32 to vector<16xi32>
      %lt3A_422 = arith.cmpi slt, %iota3A, %lt3A_421 : vector<16xi32>
      tpu.vector_store_idx %arg15[%add3A_419], %gather3A_416 masked %lt3A_422 : memref<16xf32, #tpu.memory_space<vmem>>[vector<16xi32>], vector<16xf32>, vector<16xi1>
    } else {
    }
    %scan3A_317 = arith.constant 1.000000e-07 : f32
    %scan3A_318 = arith.constant 3.000000e-01 : f32
    %scan3A_319 = arith.constant 0xFF800000 : f32
    %scan3A_320 = arith.constant 0 : i32
    %scan3A_321 = arith.constant 40 : i32
    %scan3A_322 = arith.addi %scan3A_320, %scan3A_321 : i32
    %scan3A_323 = arith.constant 1 : i32
    %scan3A_324:4 = scf.for %scan3A_407 = %scan3A_320 to %scan3A_322 step %scan3A_323 iter_args(%scan3A_408 = %broadcast_in_dim3A_90, %scan3A_409 = %broadcast_in_dim3A_91, %scan3A_410 = %broadcast_in_dim3A_90, %scan3A_411 = %broadcast_in_dim3A_91) -> (vector<16xf32>, vector<16xi32>, vector<16xf32>, vector<16xi32>)  : i32 {
      %mul3A_412 = arith.constant 16 : i32
      %mul3A_413 = arith.muli %scan3A_407, %mul3A_412 : i32
      %add3A_414 = vector.broadcast %mul3A_413 : i32 to vector<16xi32>
      %add3A_415 = arith.addi %add3A_414, %iota3A : vector<16xi32>
      %add3A_416 = arith.constant 40 : i32
      %add3A_417 = arith.addi %scan3A_407, %add3A_416 : i32
      %mul3A_418 = arith.constant 16 : i32
      %mul3A_419 = arith.muli %add3A_417, %mul3A_418 : i32
      %add3A_420 = vector.broadcast %mul3A_419 : i32 to vector<16xi32>
      %add3A_421 = arith.addi %add3A_420, %iota3A : vector<16xi32>
      %gather3A_422 = tpu.vector_load_idx %arg12[%add3A_415] : memref<1280xf32, #tpu.memory_space<vmem>>[vector<16xi32>], vector<16xf32>,
      %gather3A_423 = tpu.vector_load_idx %arg6[%add3A_415] : memref<1280xf32, #tpu.memory_space<vmem>>[vector<16xi32>], vector<16xf32>,
      %gather3A_424 = tpu.vector_load_idx %arg7[%add3A_415] : memref<1280xf32, #tpu.memory_space<vmem>>[vector<16xi32>], vector<16xf32>,
      %gather3A_425 = tpu.vector_load_idx %arg8[%add3A_415] : memref<1280xf32, #tpu.memory_space<vmem>>[vector<16xi32>], vector<16xf32>,
      %gather3A_426 = tpu.vector_load_idx %arg9[%add3A_415] : memref<1280xf32, #tpu.memory_space<vmem>>[vector<16xi32>], vector<16xf32>,
      %gather3A_427 = tpu.vector_load_idx %arg10[%add3A_415] : memref<1280xf32, #tpu.memory_space<vmem>>[vector<16xi32>], vector<16xf32>,
      %gather3A_428 = tpu.vector_load_idx %arg11[%add3A_415] : memref<1280xf32, #tpu.memory_space<vmem>>[vector<16xi32>], vector<16xf32>,
      %min3A = arith.minimumf %gather3A_279, %gather3A_426 : vector<16xf32>
      %max3A_429 = arith.maximumf %gather3A_249, %gather3A_423 : vector<16xf32>
      %sub3A_430 = arith.subf %min3A, %max3A_429 : vector<16xf32>
      %max3A_431 = arith.constant 0.000000e+00 : f32
      %max3A_432 = vector.broadcast %max3A_431 : f32 to vector<16xf32>
      %max3A_433 = arith.maximumf %sub3A_430, %max3A_432 : vector<16xf32>
      %min3A_434 = arith.minimumf %gather3A_289, %gather3A_427 : vector<16xf32>
      %max3A_435 = arith.maximumf %gather3A_259, %gather3A_424 : vector<16xf32>
      %sub3A_436 = arith.subf %min3A_434, %max3A_435 : vector<16xf32>
      %max3A_437 = arith.constant 0.000000e+00 : f32
      %max3A_438 = vector.broadcast %max3A_437 : f32 to vector<16xf32>
      %max3A_439 = arith.maximumf %sub3A_436, %max3A_438 : vector<16xf32>
      %min3A_440 = arith.minimumf %gather3A_299, %gather3A_428 : vector<16xf32>
      %max3A_441 = arith.maximumf %gather3A_269, %gather3A_425 : vector<16xf32>
      %sub3A_442 = arith.subf %min3A_440, %max3A_441 : vector<16xf32>
      %max3A_443 = arith.constant 0.000000e+00 : f32
      %max3A_444 = vector.broadcast %max3A_443 : f32 to vector<16xf32>
      %max3A_445 = arith.maximumf %sub3A_442, %max3A_444 : vector<16xf32>
      %mul3A_446 = arith.mulf %max3A_433, %max3A_439 : vector<16xf32>
      %mul3A_447 = arith.mulf %mul3A_446, %max3A_445 : vector<16xf32>
      %sub3A_448 = arith.subf %gather3A_426, %gather3A_423 : vector<16xf32>
      %max3A_449 = arith.constant 0.000000e+00 : f32
      %max3A_450 = vector.broadcast %max3A_449 : f32 to vector<16xf32>
      %max3A_451 = arith.maximumf %sub3A_448, %max3A_450 : vector<16xf32>
      %sub3A_452 = arith.subf %gather3A_427, %gather3A_424 : vector<16xf32>
      %max3A_453 = arith.constant 0.000000e+00 : f32
      %max3A_454 = vector.broadcast %max3A_453 : f32 to vector<16xf32>
      %max3A_455 = arith.maximumf %sub3A_452, %max3A_454 : vector<16xf32>
      %mul3A_456 = arith.mulf %max3A_451, %max3A_455 : vector<16xf32>
      %sub3A_457 = arith.subf %gather3A_428, %gather3A_425 : vector<16xf32>
      %max3A_458 = arith.constant 0.000000e+00 : f32
      %max3A_459 = vector.broadcast %max3A_458 : f32 to vector<16xf32>
      %max3A_460 = arith.maximumf %sub3A_457, %max3A_459 : vector<16xf32>
      %mul3A_461 = arith.mulf %mul3A_456, %max3A_460 : vector<16xf32>
      %add3A_462 = arith.addf %mul3A_312, %mul3A_461 : vector<16xf32>
      %sub3A_463 = arith.subf %add3A_462, %mul3A_447 : vector<16xf32>
      %add3A_464 = vector.broadcast %scan3A_317 : f32 to vector<16xf32>
      %add3A_465 = arith.addf %sub3A_463, %add3A_464 : vector<16xf32>
      %mul3A_466 = vector.broadcast %scan3A_318 : f32 to vector<16xf32>
      %mul3A_467 = arith.mulf %mul3A_466, %add3A_465 : vector<16xf32>
      %le3A = arith.cmpf ole, %mul3A_447, %mul3A_467 : vector<16xf32>
      %broadcast_in_dim3A_468 = vector.broadcast %scan3A_319 : f32 to vector<16xf32>
      %select_n3A_469 = arith.select %le3A, %gather3A_422, %broadcast_in_dim3A_468 : vector<16xi1>, vector<16xf32>
      %gt3A_470 = arith.cmpf ogt, %select_n3A_469, %scan3A_408 : vector<16xf32>
      %select_n3A_471 = arith.select %gt3A_470, %select_n3A_469, %scan3A_408 : vector<16xi1>, vector<16xf32>
      %add3A_472 = vector.broadcast %mul3A_89 : i32 to vector<16xi32>
      %add3A_473 = arith.addi %add3A_415, %add3A_472 : vector<16xi32>
      %select_n3A_474 = arith.select %gt3A_470, %add3A_473, %scan3A_409 : vector<16xi1>, vector<16xi32>
      %gather3A_475 = tpu.vector_load_idx %arg12[%add3A_421] : memref<1280xf32, #tpu.memory_space<vmem>>[vector<16xi32>], vector<16xf32>,
      %gather3A_476 = tpu.vector_load_idx %arg6[%add3A_421] : memref<1280xf32, #tpu.memory_space<vmem>>[vector<16xi32>], vector<16xf32>,
      %gather3A_477 = tpu.vector_load_idx %arg7[%add3A_421] : memref<1280xf32, #tpu.memory_space<vmem>>[vector<16xi32>], vector<16xf32>,
      %gather3A_478 = tpu.vector_load_idx %arg8[%add3A_421] : memref<1280xf32, #tpu.memory_space<vmem>>[vector<16xi32>], vector<16xf32>,
      %gather3A_479 = tpu.vector_load_idx %arg9[%add3A_421] : memref<1280xf32, #tpu.memory_space<vmem>>[vector<16xi32>], vector<16xf32>,
      %gather3A_480 = tpu.vector_load_idx %arg10[%add3A_421] : memref<1280xf32, #tpu.memory_space<vmem>>[vector<16xi32>], vector<16xf32>,
      %gather3A_481 = tpu.vector_load_idx %arg11[%add3A_421] : memref<1280xf32, #tpu.memory_space<vmem>>[vector<16xi32>], vector<16xf32>,
      %min3A_482 = arith.minimumf %gather3A_279, %gather3A_479 : vector<16xf32>
      %max3A_483 = arith.maximumf %gather3A_249, %gather3A_476 : vector<16xf32>
      %sub3A_484 = arith.subf %min3A_482, %max3A_483 : vector<16xf32>
      %max3A_485 = arith.constant 0.000000e+00 : f32
      %max3A_486 = vector.broadcast %max3A_485 : f32 to vector<16xf32>
      %max3A_487 = arith.maximumf %sub3A_484, %max3A_486 : vector<16xf32>
      %min3A_488 = arith.minimumf %gather3A_289, %gather3A_480 : vector<16xf32>
      %max3A_489 = arith.maximumf %gather3A_259, %gather3A_477 : vector<16xf32>
      %sub3A_490 = arith.subf %min3A_488, %max3A_489 : vector<16xf32>
      %max3A_491 = arith.constant 0.000000e+00 : f32
      %max3A_492 = vector.broadcast %max3A_491 : f32 to vector<16xf32>
      %max3A_493 = arith.maximumf %sub3A_490, %max3A_492 : vector<16xf32>
      %min3A_494 = arith.minimumf %gather3A_299, %gather3A_481 : vector<16xf32>
      %max3A_495 = arith.maximumf %gather3A_269, %gather3A_478 : vector<16xf32>
      %sub3A_496 = arith.subf %min3A_494, %max3A_495 : vector<16xf32>
      %max3A_497 = arith.constant 0.000000e+00 : f32
      %max3A_498 = vector.broadcast %max3A_497 : f32 to vector<16xf32>
      %max3A_499 = arith.maximumf %sub3A_496, %max3A_498 : vector<16xf32>
      %mul3A_500 = arith.mulf %max3A_487, %max3A_493 : vector<16xf32>
      %mul3A_501 = arith.mulf %mul3A_500, %max3A_499 : vector<16xf32>
      %sub3A_502 = arith.subf %gather3A_479, %gather3A_476 : vector<16xf32>
      %max3A_503 = arith.constant 0.000000e+00 : f32
      %max3A_504 = vector.broadcast %max3A_503 : f32 to vector<16xf32>
      %max3A_505 = arith.maximumf %sub3A_502, %max3A_504 : vector<16xf32>
      %sub3A_506 = arith.subf %gather3A_480, %gather3A_477 : vector<16xf32>
      %max3A_507 = arith.constant 0.000000e+00 : f32
      %max3A_508 = vector.broadcast %max3A_507 : f32 to vector<16xf32>
      %max3A_509 = arith.maximumf %sub3A_506, %max3A_508 : vector<16xf32>
      %mul3A_510 = arith.mulf %max3A_505, %max3A_509 : vector<16xf32>
      %sub3A_511 = arith.subf %gather3A_481, %gather3A_478 : vector<16xf32>
      %max3A_512 = arith.constant 0.000000e+00 : f32
      %max3A_513 = vector.broadcast %max3A_512 : f32 to vector<16xf32>
      %max3A_514 = arith.maximumf %sub3A_511, %max3A_513 : vector<16xf32>
      %mul3A_515 = arith.mulf %mul3A_510, %max3A_514 : vector<16xf32>
      %add3A_516 = arith.addf %mul3A_312, %mul3A_515 : vector<16xf32>
      %sub3A_517 = arith.subf %add3A_516, %mul3A_501 : vector<16xf32>
      %add3A_518 = vector.broadcast %scan3A_317 : f32 to vector<16xf32>
      %add3A_519 = arith.addf %sub3A_517, %add3A_518 : vector<16xf32>
      %mul3A_520 = vector.broadcast %scan3A_318 : f32 to vector<16xf32>
      %mul3A_521 = arith.mulf %mul3A_520, %add3A_519 : vector<16xf32>
      %le3A_522 = arith.cmpf ole, %mul3A_501, %mul3A_521 : vector<16xf32>
      %broadcast_in_dim3A_523 = vector.broadcast %scan3A_319 : f32 to vector<16xf32>
      %select_n3A_524 = arith.select %le3A_522, %gather3A_475, %broadcast_in_dim3A_523 : vector<16xi1>, vector<16xf32>
      %gt3A_525 = arith.cmpf ogt, %select_n3A_524, %scan3A_410 : vector<16xf32>
      %select_n3A_526 = arith.select %gt3A_525, %select_n3A_524, %scan3A_410 : vector<16xi1>, vector<16xf32>
      %add3A_527 = vector.broadcast %mul3A_89 : i32 to vector<16xi32>
      %add3A_528 = arith.addi %add3A_421, %add3A_527 : vector<16xi32>
      %select_n3A_529 = arith.select %gt3A_525, %add3A_528, %scan3A_411 : vector<16xi1>, vector<16xi32>
      scf.yield %select_n3A_471, %select_n3A_474, %select_n3A_526, %select_n3A_529 : vector<16xf32>, vector<16xi32>, vector<16xf32>, vector<16xi32>
    }
    %scan3A_325 = arith.constant 40 : i32
    %gt3A_326 = arith.cmpf ogt, %scan3A_324#2, %scan3A_324#0 : vector<16xf32>
    %select_n3A_327 = arith.select %gt3A_326, %scan3A_324#2, %scan3A_324#0 : vector<16xi1>, vector<16xf32>
    %select_n3A_328 = arith.select %gt3A_326, %scan3A_324#3, %scan3A_324#1 : vector<16xi1>, vector<16xi32>
    %reduce_max3A_329 = arith.constant true
    %reduce_max3A_330 = vector.broadcast %reduce_max3A_329 : i1 to vector<16xi1>
    %reduce_max3A_331 = tpu.scan <max>, %select_n3A_327 masked %reduce_max3A_330 : vector<16xf32>, vector<16xi1> -> vector<16xf32>
    %reduce_max3A_332 = vector.extract %reduce_max3A_331[15] : f32 from vector<16xf32>
    %eq3A_333 = vector.broadcast %reduce_max3A_332 : f32 to vector<16xf32>
    %eq3A_334 = arith.cmpf oeq, %select_n3A_327, %eq3A_333 : vector<16xf32>
    %jit3A_335 = arith.constant 1073741824 : i32
    %broadcast_in_dim3A_336 = vector.broadcast %jit3A_335 : i32 to vector<16xi32>
    %select_n3A_337 = arith.select %eq3A_334, %select_n3A_328, %broadcast_in_dim3A_336 : vector<16xi1>, vector<16xi32>
    %reduce_min3A_338 = arith.constant true
    %reduce_min3A_339 = vector.broadcast %reduce_min3A_338 : i1 to vector<16xi1>
    %reduce_min3A_340 = arith.constant -2147483648 : i32
    %reduce_min3A_341 = vector.broadcast %reduce_min3A_340 : i32 to vector<16xi32>
    %reduce_min3A_342 = arith.xori %select_n3A_337, %reduce_min3A_341 : vector<16xi32>
    %reduce_min3A_343 = tpu.scan <min>, %reduce_min3A_342 masked %reduce_min3A_339 : vector<16xi32>, vector<16xi1> -> vector<16xi32>
    %reduce_min3A_344 = arith.xori %reduce_min3A_343, %reduce_min3A_341 : vector<16xi32>
    %reduce_min3A_345 = vector.extract %reduce_min3A_344[15] : i32 from vector<16xi32>
    %sub3A_346 = arith.subi %reduce_min3A_345, %mul3A_89 : i32
    %broadcast_in_dim3A_347 = vector.broadcast %sub3A_346 : i32 to vector<16xi32>
    %eq3A_348 = arith.constant 0 : i32
    %eq3A_349 = vector.broadcast %eq3A_348 : i32 to vector<16xi32>
    %eq3A_350 = arith.cmpi eq, %iota3A, %eq3A_349 : vector<16xi32>
    %convert_element_type3A_351 = arith.sitofp %reduce_min3A_345 : i32 to f32
    %broadcast_in_dim3A_352 = vector.broadcast %reduce_max3A_332 : f32 to vector<16xf32>
    %broadcast_in_dim3A_353 = vector.broadcast %convert_element_type3A_351 : f32 to vector<16xf32>
    %select_n3A_354 = arith.select %eq3A_350, %broadcast_in_dim3A_352, %broadcast_in_dim3A_353 : vector<16xi1>, vector<16xf32>
    %eq3A_355 = arith.constant 2 : i32
    %eq3A_356 = vector.broadcast %eq3A_355 : i32 to vector<16xi32>
    %eq3A_357 = arith.cmpi eq, %iota3A, %eq3A_356 : vector<16xi32>
    %gather3A_358 = tpu.vector_load_idx %arg4[%broadcast_in_dim3A_347] : memref<1280xf32, #tpu.memory_space<vmem>>[vector<16xi32>], vector<16xf32>,
    %select_n3A_359 = arith.select %eq3A_357, %gather3A_358, %select_n3A_354 : vector<16xi1>, vector<16xf32>
    %eq3A_360 = arith.constant 3 : i32
    %eq3A_361 = vector.broadcast %eq3A_360 : i32 to vector<16xi32>
    %eq3A_362 = arith.cmpi eq, %iota3A, %eq3A_361 : vector<16xi32>
    %gather3A_363 = tpu.vector_load_idx %arg5[%broadcast_in_dim3A_347] : memref<1280xf32, #tpu.memory_space<vmem>>[vector<16xi32>], vector<16xf32>,
    %select_n3A_364 = arith.select %eq3A_362, %gather3A_363, %select_n3A_359 : vector<16xi1>, vector<16xf32>
    %eq3A_365 = arith.constant 4 : i32
    %eq3A_366 = vector.broadcast %eq3A_365 : i32 to vector<16xi32>
    %eq3A_367 = arith.cmpi eq, %iota3A, %eq3A_366 : vector<16xi32>
    %gather3A_368 = tpu.vector_load_idx %arg6[%broadcast_in_dim3A_347] : memref<1280xf32, #tpu.memory_space<vmem>>[vector<16xi32>], vector<16xf32>,
    %select_n3A_369 = arith.select %eq3A_367, %gather3A_368, %select_n3A_364 : vector<16xi1>, vector<16xf32>
    %eq3A_370 = arith.constant 5 : i32
    %eq3A_371 = vector.broadcast %eq3A_370 : i32 to vector<16xi32>
    %eq3A_372 = arith.cmpi eq, %iota3A, %eq3A_371 : vector<16xi32>
    %gather3A_373 = tpu.vector_load_idx %arg7[%broadcast_in_dim3A_347] : memref<1280xf32, #tpu.memory_space<vmem>>[vector<16xi32>], vector<16xf32>,
    %select_n3A_374 = arith.select %eq3A_372, %gather3A_373, %select_n3A_369 : vector<16xi1>, vector<16xf32>
    %eq3A_375 = arith.constant 6 : i32
    %eq3A_376 = vector.broadcast %eq3A_375 : i32 to vector<16xi32>
    %eq3A_377 = arith.cmpi eq, %iota3A, %eq3A_376 : vector<16xi32>
    %gather3A_378 = tpu.vector_load_idx %arg8[%broadcast_in_dim3A_347] : memref<1280xf32, #tpu.memory_space<vmem>>[vector<16xi32>], vector<16xf32>,
    %select_n3A_379 = arith.select %eq3A_377, %gather3A_378, %select_n3A_374 : vector<16xi1>, vector<16xf32>
    %eq3A_380 = arith.constant 7 : i32
    %eq3A_381 = vector.broadcast %eq3A_380 : i32 to vector<16xi32>
    %eq3A_382 = arith.cmpi eq, %iota3A, %eq3A_381 : vector<16xi32>
    %gather3A_383 = tpu.vector_load_idx %arg9[%broadcast_in_dim3A_347] : memref<1280xf32, #tpu.memory_space<vmem>>[vector<16xi32>], vector<16xf32>,
    %select_n3A_384 = arith.select %eq3A_382, %gather3A_383, %select_n3A_379 : vector<16xi1>, vector<16xf32>
    %eq3A_385 = arith.constant 8 : i32
    %eq3A_386 = vector.broadcast %eq3A_385 : i32 to vector<16xi32>
    %eq3A_387 = arith.cmpi eq, %iota3A, %eq3A_386 : vector<16xi32>
    %gather3A_388 = tpu.vector_load_idx %arg10[%broadcast_in_dim3A_347] : memref<1280xf32, #tpu.memory_space<vmem>>[vector<16xi32>], vector<16xf32>,
    %select_n3A_389 = arith.select %eq3A_387, %gather3A_388, %select_n3A_384 : vector<16xi1>, vector<16xf32>
    %eq3A_390 = arith.constant 9 : i32
    %eq3A_391 = vector.broadcast %eq3A_390 : i32 to vector<16xi32>
    %eq3A_392 = arith.cmpi eq, %iota3A, %eq3A_391 : vector<16xi32>
    %gather3A_393 = tpu.vector_load_idx %arg11[%broadcast_in_dim3A_347] : memref<1280xf32, #tpu.memory_space<vmem>>[vector<16xi32>], vector<16xf32>,
    %select_n3A_394 = arith.select %eq3A_392, %gather3A_393, %select_n3A_389 : vector<16xi1>, vector<16xf32>
    %swap3A_395 = arith.constant 0 : index
    %swap3A_396 = tpu.vector_load %arg13[%swap3A_395] {strides = array<i32>} : memref<16xf32, #tpu.memory_space<vmem>>, vector<16xf32>,
    tpu.vector_store %arg13[%swap3A_395], %select_n3A_394 {strides = array<i32>} : memref<16xf32, #tpu.memory_space<vmem>>, vector<16xf32>,
    %mul3A_397 = arith.constant 16 : i32
    %mul3A_398 = arith.muli %arg1, %mul3A_397 : i32
    %add3A_399 = arith.constant 256 : i32
    %add3A_400 = arith.addi %add3A_399, %mul3A_398 : i32
    "tpu.region"() ({
      %run_scoped3A = tpu.sem_alloc : memref<!tpu.dma_semaphore, #tpu.memory_space<semaphore_mem>>
      %dma_start3A_407 = tpu.memref_slice %arg18[%add3A_400] : memref<512xf32, #tpu.memory_space<vmem_shared>> -> memref<16xf32, #tpu.memory_space<vmem_shared>>
      %dma_start3A_408 = tpu.memref_slice %arg18[%add3A_400] : memref<512xf32, #tpu.memory_space<vmem_shared>> -> memref<16xf32, #tpu.memory_space<vmem_shared>>
      tpu.enqueue_dma source(%arg13 : memref<16xf32, #tpu.memory_space<vmem>>) target(%dma_start3A_408 : memref<16xf32, #tpu.memory_space<vmem_shared>>) target_semaphore(%run_scoped3A : memref<!tpu.dma_semaphore, #tpu.memory_space<semaphore_mem>>)
      %dma_wait3A_409 = tpu.memref_slice %arg18[%add3A_400] : memref<512xf32, #tpu.memory_space<vmem_shared>> -> memref<16xf32, #tpu.memory_space<vmem_shared>>
      %dma_wait3A_410 = tpu.memref_slice %arg18[%add3A_400] : memref<512xf32, #tpu.memory_space<vmem_shared>> -> memref<16xf32, #tpu.memory_space<vmem_shared>>
      tpu.wait_dma2 semaphore(%run_scoped3A : memref<!tpu.dma_semaphore, #tpu.memory_space<semaphore_mem>>) src(%arg13 : memref<16xf32, #tpu.memory_space<vmem>>) dst(%dma_wait3A_410 : memref<16xf32, #tpu.memory_space<vmem_shared>>)
      tpu.yield
    }) : () -> ()
    %barrier3A_401 = arith.constant 0 : index
    tpu.barrier barrier_id(%barrier3A_401)
    %eq3A_402 = arith.constant 0 : i32
    %eq3A_403 = arith.cmpi eq, %arg1, %eq3A_402 : i32
    %convert_element_type3A_404 = arith.extui %eq3A_403 : i1 to i32
    %cond3A_405 = arith.constant 0 : i32
    %cond3A_406 = arith.cmpi ne, %convert_element_type3A_404, %cond3A_405 : i32
    scf.if %cond3A_406 {
      "tpu.region"() ({
        %run_scoped3A = tpu.sem_alloc : memref<!tpu.dma_semaphore, #tpu.memory_space<semaphore_mem>>
        %dma_start3A_466 = arith.constant 256 : i32
        %dma_start3A_467 = tpu.memref_slice %arg18[%dma_start3A_466] : memref<512xf32, #tpu.memory_space<vmem_shared>> -> memref<256xf32, #tpu.memory_space<vmem_shared>>
        %dma_start3A_468 = arith.constant 256 : i32
        %dma_start3A_469 = tpu.memref_slice %arg18[%dma_start3A_468] : memref<512xf32, #tpu.memory_space<vmem_shared>> -> memref<256xf32, #tpu.memory_space<vmem_shared>>
        tpu.enqueue_dma source(%dma_start3A_469 : memref<256xf32, #tpu.memory_space<vmem_shared>>) target(%arg14 : memref<256xf32, #tpu.memory_space<vmem>>) target_semaphore(%run_scoped3A : memref<!tpu.dma_semaphore, #tpu.memory_space<semaphore_mem>>)
        %dma_wait3A_470 = arith.constant 256 : i32
        %dma_wait3A_471 = tpu.memref_slice %arg18[%dma_wait3A_470] : memref<512xf32, #tpu.memory_space<vmem_shared>> -> memref<256xf32, #tpu.memory_space<vmem_shared>>
        %dma_wait3A_472 = arith.constant 256 : i32
        %dma_wait3A_473 = tpu.memref_slice %arg18[%dma_wait3A_472] : memref<512xf32, #tpu.memory_space<vmem_shared>> -> memref<256xf32, #tpu.memory_space<vmem_shared>>
        tpu.wait_dma2 semaphore(%run_scoped3A : memref<!tpu.dma_semaphore, #tpu.memory_space<semaphore_mem>>) src(%dma_wait3A_473 : memref<256xf32, #tpu.memory_space<vmem_shared>>) dst(%arg14 : memref<256xf32, #tpu.memory_space<vmem>>)
        tpu.yield
      }) : () -> ()
      %mul3A_407 = arith.constant 16 : i32
      %mul3A_408 = vector.broadcast %mul3A_407 : i32 to vector<16xi32>
      %mul3A_409 = arith.muli %iota3A, %mul3A_408 : vector<16xi32>
      %gather3A_410 = tpu.vector_load_idx %arg14[%mul3A_409] : memref<256xf32, #tpu.memory_space<vmem>>[vector<16xi32>], vector<16xf32>,
      %mul3A_411 = arith.constant 16 : i32
      %mul3A_412 = vector.broadcast %mul3A_411 : i32 to vector<16xi32>
      %mul3A_413 = arith.muli %iota3A, %mul3A_412 : vector<16xi32>
      %add3A_414 = arith.constant 1 : i32
      %add3A_415 = vector.broadcast %add3A_414 : i32 to vector<16xi32>
      %add3A_416 = arith.addi %mul3A_413, %add3A_415 : vector<16xi32>
      %gather3A_417 = tpu.vector_load_idx %arg14[%add3A_416] : memref<256xf32, #tpu.memory_space<vmem>>[vector<16xi32>], vector<16xf32>,
      %reduce_max3A_418 = arith.constant true
      %reduce_max3A_419 = vector.broadcast %reduce_max3A_418 : i1 to vector<16xi1>
      %reduce_max3A_420 = tpu.scan <max>, %gather3A_410 masked %reduce_max3A_419 : vector<16xf32>, vector<16xi1> -> vector<16xf32>
      %reduce_max3A_421 = vector.extract %reduce_max3A_420[15] : f32 from vector<16xf32>
      %eq3A_422 = vector.broadcast %reduce_max3A_421 : f32 to vector<16xf32>
      %eq3A_423 = arith.cmpf oeq, %gather3A_410, %eq3A_422 : vector<16xf32>
      %jit3A_424 = arith.constant 1.000000e+30 : f32
      %broadcast_in_dim3A_425 = vector.broadcast %jit3A_424 : f32 to vector<16xf32>
      %select_n3A_426 = arith.select %eq3A_423, %gather3A_417, %broadcast_in_dim3A_425 : vector<16xi1>, vector<16xf32>
      %reduce_min3A_427 = arith.constant true
      %reduce_min3A_428 = vector.broadcast %reduce_min3A_427 : i1 to vector<16xi1>
      %reduce_min3A_429 = tpu.scan <min>, %select_n3A_426 masked %reduce_min3A_428 : vector<16xf32>, vector<16xi1> -> vector<16xf32>
      %reduce_min3A_430 = vector.extract %reduce_min3A_429[15] : f32 from vector<16xf32>
      %eq3A_431 = vector.broadcast %reduce_max3A_421 : f32 to vector<16xf32>
      %eq3A_432 = arith.cmpf oeq, %gather3A_410, %eq3A_431 : vector<16xf32>
      %eq3A_433 = vector.broadcast %reduce_min3A_430 : f32 to vector<16xf32>
      %eq3A_434 = arith.cmpf oeq, %gather3A_417, %eq3A_433 : vector<16xf32>
      %and3A_435 = arith.andi %eq3A_432, %eq3A_434 : vector<16xi1>
      %jit3A_436 = arith.constant 16 : i32
      %broadcast_in_dim3A_437 = vector.broadcast %jit3A_436 : i32 to vector<16xi32>
      %select_n3A_438 = arith.select %and3A_435, %iota3A, %broadcast_in_dim3A_437 : vector<16xi1>, vector<16xi32>
      %reduce_min3A_439 = arith.constant true
      %reduce_min3A_440 = vector.broadcast %reduce_min3A_439 : i1 to vector<16xi1>
      %reduce_min3A_441 = arith.constant -2147483648 : i32
      %reduce_min3A_442 = vector.broadcast %reduce_min3A_441 : i32 to vector<16xi32>
      %reduce_min3A_443 = arith.xori %select_n3A_438, %reduce_min3A_442 : vector<16xi32>
      %reduce_min3A_444 = tpu.scan <min>, %reduce_min3A_443 masked %reduce_min3A_440 : vector<16xi32>, vector<16xi1> -> vector<16xi32>
      %reduce_min3A_445 = arith.xori %reduce_min3A_444, %reduce_min3A_442 : vector<16xi32>
      %reduce_min3A_446 = vector.extract %reduce_min3A_445[15] : i32 from vector<16xi32>
      %broadcast_in_dim3A_447 = vector.broadcast %reduce_min3A_446 : i32 to vector<16xi32>
      %mul3A_448 = arith.constant 16 : i32
      %mul3A_449 = vector.broadcast %mul3A_448 : i32 to vector<16xi32>
      %mul3A_450 = arith.muli %broadcast_in_dim3A_447, %mul3A_449 : vector<16xi32>
      %add3A_451 = arith.addi %mul3A_450, %iota3A : vector<16xi32>
      %add3A_452 = arith.constant 2 : i32
      %add3A_453 = vector.broadcast %add3A_452 : i32 to vector<16xi32>
      %add3A_454 = arith.addi %add3A_451, %add3A_453 : vector<16xi32>
      %lt3A = arith.constant 8 : i32
      %lt3A_455 = vector.broadcast %lt3A : i32 to vector<16xi32>
      %lt3A_456 = arith.cmpi slt, %iota3A, %lt3A_455 : vector<16xi32>
      %gather3A_457 = tpu.vector_load_idx %arg14[%add3A_454] masked %lt3A_456 : memref<256xf32, #tpu.memory_space<vmem>>[vector<16xi32>], vector<16xf32>, vector<16xi1>
      %add3A_458 = arith.constant 8 : i32
      %add3A_459 = vector.broadcast %add3A_458 : i32 to vector<16xi32>
      %add3A_460 = arith.addi %iota3A, %add3A_459 : vector<16xi32>
      %lt3A_461 = arith.constant 8 : i32
      %lt3A_462 = vector.broadcast %lt3A_461 : i32 to vector<16xi32>
      %lt3A_463 = arith.cmpi slt, %iota3A, %lt3A_462 : vector<16xi32>
      tpu.vector_store_idx %arg15[%add3A_460], %gather3A_457 masked %lt3A_463 : memref<16xf32, #tpu.memory_space<vmem>>[vector<16xi32>], vector<16xf32>, vector<16xi1>
      %mul3A_464 = arith.constant 16 : i32
      %mul3A_465 = arith.muli %arg0, %mul3A_464 : i32
      "tpu.region"() ({
        %run_scoped3A = tpu.sem_alloc : memref<!tpu.dma_semaphore, #tpu.memory_space<semaphore_mem>>
        %dma_start3A_466 = tpu.memref_slice %arg3[%mul3A_465] : memref<32xf32, #tpu.memory_space<hbm>> -> memref<16xf32, #tpu.memory_space<hbm>>
        %dma_start3A_467 = tpu.memref_slice %arg3[%mul3A_465] : memref<32xf32, #tpu.memory_space<hbm>> -> memref<16xf32, #tpu.memory_space<hbm>>
        tpu.enqueue_dma source(%arg15 : memref<16xf32, #tpu.memory_space<vmem>>) target(%dma_start3A_467 : memref<16xf32, #tpu.memory_space<hbm>>) target_semaphore(%run_scoped3A : memref<!tpu.dma_semaphore, #tpu.memory_space<semaphore_mem>>)
        %dma_wait3A_468 = tpu.memref_slice %arg3[%mul3A_465] : memref<32xf32, #tpu.memory_space<hbm>> -> memref<16xf32, #tpu.memory_space<hbm>>
        %dma_wait3A_469 = tpu.memref_slice %arg3[%mul3A_465] : memref<32xf32, #tpu.memory_space<hbm>> -> memref<16xf32, #tpu.memory_space<hbm>>
        tpu.wait_dma2 semaphore(%run_scoped3A : memref<!tpu.dma_semaphore, #tpu.memory_space<semaphore_mem>>) src(%arg15 : memref<16xf32, #tpu.memory_space<vmem>>) dst(%dma_wait3A_469 : memref<16xf32, #tpu.memory_space<hbm>>)
        tpu.yield
      }) : () -> ()
    } else {
    }
    return
  }
}

</mosaic_0001>

<sc_bundles>
// kernel: kernel.3.cloned.1.call-start
scs
__scs_entry_jumppad:
0x0: {  	(pc) =	sbr.rel $0x88, $3  }
0x1: {  	(tag) =	ssettag $0x0;
	lr =	simm.s32 $0x1  }
0x2: {  	[smem:$0x3FA0] =	sst lr;
	_ =	strace $0xD0000000  }
0x3: {  	_ = 	snop  }
0x4: {  	_ = 	snop  }
0x5: {  	_ = 	snop  }
0x6: {  	_ = 	snop  }
0x7: {  	_ = 	snop  }
__scs_overlays_trampoline_lowered:
0x8: {  	[smem:$0x3FAF] =	sst s0  }
0x9: {  	[smem:$0x3FB0] =	sst s1  }
0xa: {  	[smem:$0x3FB1] =	sst s2  }
0xb: {  	[smem:$0x3FB2] =	sst s3  }
0xc: {  	[smem:$0x3FB3] =	sst s4  }
0xd: {  	[smem:$0x3FB4] =	sst s5  }
0xe: {  	[smem:$0x3FB5] =	sst s6  }
0xf: {  	[smem:$0x3FB6] =	sst s7  }
0x10: {  	[smem:$0x3FB7] =	sst s8  }
0x11: {  	[smem:$0x3FB8] =	sst s9;
	s0 =	simm.s32 @!p0 $0x0  }
0x12: {  	s1 =	sld [smem:$0x3F9E];
	s0 =	simm.s32 @p0 $0x1  }
0x13: {  	[smem:$0x3FB9] =	sst s0;
	s0 =	simm.s32 @!p1 $0x0  }
0x14: {  	s2 =	sld [smem:$0x3F9D];
	s0 =	simm.s32 @p1 $0x1  }
0x15: {  	[smem:$0x3FBA] =	sst s0;
	s0 =	simm.s32 @!p2 $0x0  }
0x16: {  	s3 =	sld [smem:$0x3FDB];
	s0 =	simm.s32 @p2 $0x1  }
0x17: {  	s4 =	simm.s32 $0x1BF5;
	[smem:$0x3FBC] =	sst s0  }
0x18: {  	s0 =	sld [smem:$0x3F9F];
	_ =	swait.ge [sflag:s4], $0x0  }
0x19: {  	s7 =	sld [smem:$0x3FA0]  }
0x1a: {  	s8 =	sadd.s32 $0xFFFFE003, lr  }
0x1b: {  	s9 =	sadd.s32 $0xFFFFFEF7, lr;
	s5 =	simm.s32 $0xFFFFFFFF;
	p2 =	slt.u32 s8, $0xFFFFF086  }
0x1c: {  	p1 =	slt.u32 s9, $0xF7A;
	s5 =	simm.s32 @!p2 $0x0  }
0x1d: {  	s5 =	simm.s32 @p1 $0x1;
	p0 =	seq.s32 s7, s2  }
0x1e: {  	s7 =	smul.u32 @!p0 $0xF7A, s2;
	p2 =	seq.s32 @!p0 s5, $0x0  }
0x1f: {  	s9 =	smul.u32 $0xF7A, s1;
	s8 =	simm.s32 @!p0 $0x1BF5;
	p2 =	por !p2, p0  }
0x20: {  	[sflag:s8] =	ssyncset.s32 @!p0 $0xFFFFF086;
	s6 =	sadd.s32 @!p0 s3, s7;
	s7 =	simm.s32 @!p0 $0x108  }
0x21: {  	s3 =	sadd.s32 s3, s9;
	s6 =	sadd.s32 @!p0 $0x88, s6;
	s7 =	simm.s32 @p2 $0x1082  }
0x22: {  	[simem:s7], [sflag:s8] =	dma.local @!p0 [hbm:s6], $0xF7A  }
0x23: {  	s9 =	sor.u32 $0xD0000000, s2;
	s6 =	simm.s32 $0x108;
	_ =	swait.ge @!p0 [sflag:s8], $0x0  }
0x24: {  	s3 =	sadd.s32 $0x88, s3;
	s6 =	simm.s32 @!p1 $0x1082;
	[sflag:s4] =	ssyncset.s32 $0xFFFFF086  }
0x25: {  	[simem:s6], [sflag:s4] =	dma.local [hbm:s3], $0xF7A  }
0x26: {  	[smem:$0x3FA0] =	sst s1;
	(tag) =	ssettag s2;
	_ =	strace s9  }
0x27: {  	s1 =	sld [smem:$0x3FB0]  }
0x28: {  	s2 =	sld [smem:$0x3FB1]  }
0x29: {  	s4 =	sld [smem:$0x3FB3]  }
0x2a: {  	p0 =	seq.s32 s5, $0x0;
	s5 =	sld [smem:$0x3FB4]  }
0x2b: {  	s6 =	sld [smem:$0x3FB5]  }
0x2c: {  	s7 =	sld [smem:$0x3FB6]  }
0x2d: {  	s3 =	simm.s32 $0x108;
	s8 =	sld [smem:$0x3FB7]  }
0x2e: {  	s3 =	simm.s32 @!p0 $0x1082;
	s9 =	sld [smem:$0x3FB8]  }
0x2f: {  	lr =	sadd.s32 s0, s3;
	s0 =	sld [smem:$0x3FAF]  }
0x30: {  	s3 =	sld [smem:$0x3FB2]  }
0x31: {  	[smem:$0x3FBB] =	sst s10  }
0x32: {  	s10 =	sld [smem:$0x3FB9];
	_ =	sdelay $0x3  }
0x33: {  	p0 =	seq.s32 s10, $0x1;
	s10 =	sld [smem:$0x3FBB];
	_ =	sdelay $0x3  }
0x34: {  	[smem:$0x3FBB] =	sst s10  }
0x35: {  	s10 =	sld [smem:$0x3FBA];
	_ =	sdelay $0x3  }
0x36: {  	p1 =	seq.s32 s10, $0x1;
	s10 =	sld [smem:$0x3FBB];
	_ =	sdelay $0x3  }
0x37: {  	[smem:$0x3FBB] =	sst s10  }
0x38: {  	s10 =	sld [smem:$0x3FBC]  }
0x39: {  	_ = 	snop;
	(pc) =	sbr.ind lr, $3  }
0x3a: {  	_ = 	snop  }
0x3b: {  	_ = 	snop  }
0x3c: {  	p2 =	seq.s32 s10, $0x1;
	s10 =	sld [smem:$0x3FBB]  }
0x3d: {  	_ =	shalt  }
0x3e: {  	_ =	shalt  }
0x3f: {  	_ =	shalt  }
0x40: {  	_ =	shalt  }
0x41: {  	_ =	shalt  }
0x42: {  	_ =	shalt  }
0x43: {  	_ =	shalt  }
0x44: {  	_ =	shalt  }
0x45: {  	_ =	shalt  }
0x46: {  	_ =	shalt  }
0x47: {  	_ =	shalt  }
0x48: {  	_ =	shalt  }
0x49: {  	_ =	shalt  }
0x4a: {  	_ =	shalt  }
0x4b: {  	_ =	shalt  }
0x4c: {  	_ =	shalt  }
0x4d: {  	_ =	shalt  }
0x4e: {  	_ =	shalt  }
0x4f: {  	_ =	shalt  }
0x50: {  	_ =	shalt  }
0x51: {  	_ =	shalt  }
0x52: {  	_ =	shalt  }
0x53: {  	_ =	shalt  }
0x54: {  	_ =	shalt  }
0x55: {  	_ =	shalt  }
0x56: {  	_ =	shalt  }
0x57: {  	_ =	shalt  }
0x58: {  	_ =	shalt  }
0x59: {  	_ =	shalt  }
0x5a: {  	_ =	shalt  }
0x5b: {  	_ =	shalt  }
0x5c: {  	_ =	shalt  }
0x5d: {  	_ =	shalt  }
0x5e: {  	_ =	shalt  }
0x5f: {  	_ =	shalt  }
0x60: {  	_ =	shalt  }
0x61: {  	_ =	shalt  }
0x62: {  	_ =	shalt  }
0x63: {  	_ =	shalt  }
0x64: {  	_ =	shalt  }
0x65: {  	_ =	shalt  }
0x66: {  	_ =	shalt  }
0x67: {  	_ =	shalt  }
0x68: {  	_ =	shalt  }
0x69: {  	_ =	shalt  }
0x6a: {  	_ =	shalt  }
0x6b: {  	_ =	shalt  }
0x6c: {  	_ =	shalt  }
0x6d: {  	_ =	shalt  }
0x6e: {  	_ =	shalt  }
0x6f: {  	_ =	shalt  }
0x70: {  	_ =	shalt  }
0x71: {  	_ =	shalt  }
0x72: {  	_ =	shalt  }
0x73: {  	_ =	shalt  }
0x74: {  	_ =	shalt  }
0x75: {  	_ =	shalt  }
0x76: {  	_ =	shalt  }
0x77: {  	_ =	shalt  }
0x78: {  	_ =	shalt  }
0x79: {  	_ =	shalt  }
0x7a: {  	_ =	shalt  }
0x7b: {  	_ =	shalt  }
0x7c: {  	_ =	shalt  }
0x7d: {  	_ =	shalt  }
0x7e: {  	_ =	shalt  }
0x7f: {  	_ =	shalt  }
0x80: {  	_ =	shalt  }
0x81: {  	_ =	shalt  }
0x82: {  	_ =	shalt  }
0x83: {  	_ =	shalt  }
0x84: {  	_ =	shalt  }
0x85: {  	_ =	shalt  }
0x86: {  	_ =	shalt  }
0x87: {  	_ =	shalt  }
.Lfunc_end0:
.L_simem_size_0:
called_computation_lowered:
.L_overlay_start_0:
0x88: {  	s2 =	sld [smem:$0x3FD9]  }
0x89: {  	s3 =	sld [smem:$0x3FFE];
	_ =	sdelay $0x1  }
0x8a: {  	s1 =	srdreg.scid  }
0x8b: {  	s0 =	sand.u32 $0x1, s1  }
0x8c: {  	s16 =	sshll.u32 s0, $0xA;
	s2 =	sadd.s32 s3, s2  }
0x8d: {  	s2 =	sadd.s32 s2, s16  }
0x8e: {  	[smem:$0x3FC7] =	sst s2  }
0x8f: {  	_ = 	snop  }
0x90: {  	(tm) =	ssettm $0x1  }
0x91: {  	s17 =	sld [smem:$0x3FFB];
	_ =	sdelay $0x3  }
0x92: {  	_ =	strace s17  }
0x93: {  	s2 =	sld [smem:$0x3FFC];
	_ =	sdelay $0x3  }
0x94: {  	_ =	strace s2  }
0x95: {  	s2 =	sld [smem:$0x3FFD];
	_ =	sdelay $0x3  }
0x96: {  	_ =	strace s2  }
0x97: {  	_ =	strace $0x8FFFFFFF  }
0x98: {  	s18 =	sld [smem:$0x3FDB];
	_ =	sdelay $0x1  }
0x99: {  	s19 =	simm.s32 $_scs_section_size  }
0x9a: {  	s4 =	simm.s32 $_size__tile_overlayer_lowered;
	s5 =	simm.s32 $_tile_overlayer_lowered  }
0x9b: {  	s22 =	simm.s32 $0x1BFF;
	s21 =	sshll.u32 s5, $0x1;
	s2 =	sadd.s32 s19, s18  }
0x9c: {  	s6 =	simm.s32 $0x0;
	s20 =	sshll.u32 s4, $0x1;
	s4 =	sadd.s32 s21, s2  }
0x9d: {  	[timem:s6], [sflag:s22] =	dma.local [hbm:s4], s20  }
0x9e: {  	_ =	swait.ge [sflag:s22], s20  }
0x9f: {  	s3 =	ssub.s32 $0x0, s20;
	[sflag:s22] =	ssyncset.done $0x0  }
0xa0: {  	[sflag:s22] =	ssyncadd.s32 s3;
	_ =	sdelay $0x1  }
0xa1: {  	s23 =	simm.s32 $0x1B8B  }
0xa2: {  	_ =	swait.ge [sflag:s23], $0x1  }
0xa3: {  	[sflag:s23] =	ssyncset.done $0x0  }
0xa4: {  	s25 =	simm.s32 $0x1B8E;
	s24 =	sld [smem:$0x3FFE];
	[sflag:s23] =	ssyncadd.s32 $0xFFFFFFFF  }
0xa5: {  	s26 =	simm.s32 $execute0_lowered;
	[smem:$0x3FD2] =	sst s25  }
0xa6: {  	s4 =	sshll.u32 s26, $0x1;
	_ =	strace $0x80000046;
	[dreg:$0x1] =	wrdreg $0xFFFFFFFF  }
0xa7: {  	s28 =	simm.s32 $_size_execute0_lowered;
	s2 =	sadd.s32 s2, s4;
	[dreg:$0x0] =	wrdreg $0x0  }
0xa8: {  	s4 =	sshll.u32 s28, $0x1;
	[dreg:$0x2] =	wrdreg s2  }
0xa9: {  	[dreg:$0x3] =	wrdreg s4  }
0xaa: {  	[dreg:$0x4] =	wrdreg $0xC0  }
0xab: {  	_ =	task [dreg:s6], $0x5FFFF  }
0xac: {  	[dreg:$0x1] =	wrdreg $0xFFFFFFFF  }
0xad: {  	[dreg:$0x0] =	wrdreg $0x60  }
0xae: {  	[dreg:$0x2] =	wrdreg s24  }
0xaf: {  	[dreg:$0x3] =	wrdreg $0x2F000  }
0xb0: {  	[dreg:$0x4] =	wrdreg $0x9  }
0xb1: {  	_ =	task.clear_ibuf [dreg:s6], $0x5FFFF;
	_ =	strace $0x90000046  }
0xb2: {  	s29 =	simm.s32 $0x9;
	_ =	strace $0x80000048  }
0xb3: {  	_ =	swait.ge [sflag:s29], $0x1  }
0xb4: {  	[sflag:s29] =	ssyncadd.s32 $0xFFFFFFFF  }
0xb5: {  	_ =	strace $0x90000048  }
0xb6: {  	_ =	sfence  }
0xb7: {  	s30 =	sld [smem:$0x0];
	_ =	sdelay $0x2  }
0xb8: {  	s31 =	sshll.u32 s1, $0xD;
	s1 =	sshrl.u32 s1, $0x2  }
0xb9: {  	s3 =	sand.u32 $0x4000, s31;
	s1 =	sadd.s32 s1, s30  }
0xba: {  	s0 =	sor.u32 s3, s0;
	s1 =	sshll.u32 s1, $0x11  }
0xbb: {  	s0 =	sor.u32 s1, s0  }
0xbc: {  	s0 =	sadd.s32 $0x8F2B, s0  }
0xbd: {  	[sflag:s0] =	ssyncadd.remote.s32 $0x1  }
0xbe: {  	_ =	sfence.sel $0xFFFF  }
0xbf: {  	[dreg:$0x0] =	wrdreg $0xFFFFFFFF;
	(pc) =	sbr.abs _section_cstart, $3  }
0xc0: {  	[dreg:$0x1] =	wrdreg $0xFFFFFFFF  }
0xc1: {  	_ =	task.clear_ibuf [dreg:s6], $0x2FFFF;
	_ =	strace $0x9FFFFFFF  }
0xc2: {  	(tm) =	ssettm $0x7FFFFFFF  }
0xc3: {  	_ =	shalt  }
tec
execute0_lowered:
.L_overlay_start_1:
0x0: {  	(tag) =	ssettag $0x1  }
0x1: {  	s0 =	rddreg [dreg:$0x0]  }
0x2: {  	s14 =	rddreg [dreg:$0x1];
	s2 =	simm.s32 $0x0  }
0x3: {  	s1 =	stileid.u32;
	s4 =	srdreg.scid;
	s18 =	simm.s32 $0xA00  }
0x4: {  	s19 =	simm.s32 $0xF00;
	s20 =	simm.s32 $0x1400;
	s21 =	simm.s32 $0x1900  }
0x5: {  	s22 =	simm.s32 $0x1E00;
	s23 =	simm.s32 $0x2300;
	s24 =	simm.s32 $0x1  }
0x6: {  	s28 =	simm.s32 $0x2D00;
	s29 =	simm.s32 $0x3;
	s30 =	simm.s32 $0x2D80  }
0x7: {  	s31 =	simm.s32 $0x0;
	[smem:$0x7FF] =	sst s2;
	s3 =	smul.u32 $0x500, s1  }
0x8: {  	s13 =	sand.u32 $0x1, s4;
	s11 =	sshll.u32 s1, $0x4;
	p0 =	sne.s32 s1, $0x0  }
0x9: {  	_ =	strace $0x80000047;
	s4 =	ssub.s32 $0x2, s13;
	s6 =	sshll.u32 s13, $0x1  }
0xa: {  	s11 =	sadd.s32 s11, s14;
	s17 =	scvt.s32.f32 s13;
	s14 =	sadd.s32 $0x100, s14  }
0xb: {  	s5 =	sshrl.u32 s3, $0x3;
	s7 =	sshrl.u32 s4, $0x1;
	s13 =	sadd.s32 $0x100, s11  }
0xc: {  	s12 =	sadd.s32 s5, s0;
	s0 =	sadd.s32 s6, s0;
	s16 =	ssub.s32 s4, s7  }
0xd: {  	v2 =	vlaneseq.u32;
	vm0 =	vmmov $0x1;
	v1 =	vmov s17;
	s17 =	simm.s32 $0x500;
	s25 =	sadd.s32 $0x400, s12;
	s26 =	sadd.s32 $0xE00, s12  }
0xe: {  	vm1 =	vcmask $0x728;
	vm2 =	vcmask $0xB28;
	vm3 =	vcmask $0xF28;
	s6 =	sadd.s32 $0x1800, s12;
	s7 =	sadd.s32 $0x2200, s12;
	s8 =	sadd.s32 $0x2C00, s12  }
0xf: {  	vm4 =	vcmask $0x1328;
	vm5 =	vcmask $0x1728;
	v3 =	vmul.u32 $0x10, v2;
	s9 =	sadd.s32 $0x3600, s12;
	s10 =	sadd.s32 $0x4000, s12;
	s12 =	sadd.s32 $0x4A00, s12  }
0x10: {  	vm6 =	vcmask $0x1B28;
	vm7 =	vcmask $0x1F28;
	vm8 =	vcmask $0x2328;
	s15 =	sadd.s32 $0x5400, s0;
	s16 =	smax.u32 s16, $0x1;
	[dreg:$0x3] =	wrdreg s25  }
0x11: {  	v5 =	vor.u32 $0x80000000, v2;
	v0 =	vmov s3;
	v4 =	vor.u32 $0x1, v3;
	[dreg:$0x4] =	wrdreg s26;
	s25 =	simm.s32 $0x2800;
	s26 =	simm.s32 $0x2  }
.LBB2_1:
0x12: {  	s0 =	rddreg [dreg:$0x3]  }
0x13: {  	[tilespmem:s2], [sflag:$0x1] =	stream.linear.gather [hbm4b:s0+s2], $0x500, $0x38;
	[tilespmem:$0x2F20] =	vst v63  }
0x14: {  	s4 =	rddreg [dreg:$0x4]  }
0x15: {  	[tilespmem:s17], [sflag:$0x1] =	stream.linear.gather [hbm4b:s4+s2], $0x500, $0x38;
	[tilespmem:$0x2F20] =	vst v63  }
0x16: {  	_ = 	snop  }
0x17: {  	[tilespmem:s18], [sflag:$0x2] =	stream.linear.gather [hbm4b:s6+s2], $0x500, $0x38;
	[tilespmem:$0x2F20] =	vst v63  }
0x18: {  	_ = 	snop  }
0x19: {  	[tilespmem:s19], [sflag:$0x2] =	stream.linear.gather [hbm4b:s7+s2], $0x500, $0x38;
	[tilespmem:$0x2F20] =	vst v63  }
0x1a: {  	_ = 	snop  }
0x1b: {  	[tilespmem:s20], [sflag:$0x2] =	stream.linear.gather [hbm4b:s8+s2], $0x500, $0x38;
	[tilespmem:$0x2F20] =	vst v63  }
0x1c: {  	_ = 	snop  }
0x1d: {  	[tilespmem:s21], [sflag:$0x2] =	stream.linear.gather [hbm4b:s9+s2], $0x500, $0x38;
	[tilespmem:$0x2F20] =	vst v63  }
0x1e: {  	_ = 	snop  }
0x1f: {  	[tilespmem:s22], [sflag:$0x2] =	stream.linear.gather [hbm4b:s10+s2], $0x500, $0x38;
	[tilespmem:$0x2F20] =	vst v63  }
0x20: {  	_ = 	snop  }
0x21: {  	[tilespmem:s23], [sflag:$0x2] =	stream.linear.gather [hbm4b:s12+s2], $0x500, $0x38;
	[tilespmem:$0x2F20] =	vst v63  }
0x22: {  	_ =	swait.ge [sflag:s24], $0x500  }
0x23: {  	v6 =	vor.u32 s2, v2;
	[sflag:s24] =	ssyncset.done $0x0  }
0x24: {  	[sflag:s24] =	ssyncadd.s32 $0xFFFFFB00  }
0x25: {  	_ =	swait.ge [sflag:s24], $0x500  }
0x26: {  	[sflag:s24] =	ssyncset.done $0x0  }
0x27: {  	[sflag:s24] =	ssyncadd.s32 $0xFFFFFB00  }
0x28: {  	v7 =	vld.idx.msk [tilespmem:v6+s2+$0x0], $0xffff  }
0x29: {  	v8 =	vld.idx.msk [tilespmem:v6+s17+$0x0], $0xffff;
	_ =	sdelay $0x2  }
0x2a: {  	s5 =	simm.s32 $0x280  }
0x2b: {  	v11 =	vor.u32 s5, v2  }
0x2c: {  	vm9 =	vge.f32 v7, $0.0e+00;
	vm10 =	veq.f32 v8, v1  }
0x2d: {  	vm9 =	vmand vm9, vm10  }
0x2e: {  	v7 =	vnsel vm9, $0xFF800000, v7  }
0x2f: {  	[tilespmem:v6+s25+$0x0] =	vst.idx.msk $0xffff, v7  }
0x30: {  	v13 =	vld.idx.msk [tilespmem:v11+s2+$0x0], $0xffff  }
0x31: {  	v8 =	vld.idx.msk [tilespmem:v11+s17+$0x0], $0xffff;
	_ =	sdelay $0x1  }
0x32: {  	v9 =	vimm.f32 $-Inf  }
0x33: {  	s0 =	simm.s32 $0x10;
	vm9 =	vgt.f32 v7, v9  }
0x34: {  	v10 =	vor.u32 s0, v2;
	v6 =	vadd.s32 v0, v6;
	v7 =	vsel vm9, v7, v9  }
0x35: {  	v6 =	vsel vm9, v6, v0;
	vm9 =	vge.f32 v13, $0.0e+00;
	vm10 =	veq.f32 v8, v1  }
0x36: {  	s1 =	simm.s32 $0x20;
	v12 =	vadd.s32 v0, v11;
	v8 =	vmov v0;
	vm9 =	vmand vm9, vm10  }
.LBB2_2:
0x37: {  	p1 =	sne.s32 s1, $0x270;
	v13 =	vnsel vm9, $0xFF800000, v13;
	s4 =	smov.u32 s1;
	s1 =	sadd.s32 $0x10, s1  }
0x38: {  	[tilespmem:v11+s25+$0x0] =	vst.idx.msk $0xffff, v13;
	vm9 =	vgt.f32 v13, v9  }
0x39: {  	v14 =	vld.idx.msk [tilespmem:v10+s2+$0x0], $0xffff;
	v9 =	vsel vm9, v13, v9;
	v8 =	vsel vm9, v12, v8  }
0x3a: {  	v12 =	vld.idx.msk [tilespmem:v10+s17+$0x0], $0xffff;
	_ =	sdelay $0x3  }
0x3b: {  	s5 =	sadd.s32 $0x280, s0;
	s0 =	smov.u32 s4  }
0x3c: {  	v11 =	vor.u32 s5, v2;
	vm9 =	vge.f32 v14, $0.0e+00  }
0x3d: {  	vm10 =	veq.f32 v12, v1  }
0x3e: {  	vm9 =	vmand vm9, vm10  }
0x3f: {  	v12 =	vnsel vm9, $0xFF800000, v14  }
0x40: {  	vm9 =	vgt.f32 v12, v7;
	[tilespmem:v10+s25+$0x0] =	vst.idx.msk $0xffff, v12;
	v10 =	vadd.s32 v0, v10  }
0x41: {  	v7 =	vsel vm9, v12, v7;
	v6 =	vsel vm9, v10, v6;
	v13 =	vld.idx.msk [tilespmem:v11+s2+$0x0], $0xffff  }
0x42: {  	v12 =	vld.idx.msk [tilespmem:v11+s17+$0x0], $0xffff;
	_ =	sdelay $0x2  }
.Ltmp0:
0x43: {  	(pc) =	sbr.rel @p1 .LBB2_2-.Ltmp0, $4  }
0x44: {  	_ = 	snop  }
0x45: {  	v10 =	vor.u32 s0, v2;
	vm9 =	vge.f32 v13, $0.0e+00  }
0x46: {  	vm10 =	veq.f32 v12, v1  }
0x47: {  	v12 =	vadd.s32 v0, v11;
	vm9 =	vmand vm9, vm10  }
0x48: {  	_ =	sdelay $0x2  }
0x49: {  	v13 =	vnsel vm9, $0xFF800000, v13  }
0x4a: {  	[tilespmem:v11+s25+$0x0] =	vst.idx.msk $0xffff, v13  }
0x4b: {  	v11 =	vld.idx.msk [tilespmem:v10+s2+$0x0], $0xffff  }
0x4c: {  	v14 =	vld.idx.msk [tilespmem:v10+s17+$0x0], $0xffff;
	_ =	sdelay $0x2  }
0x4d: {  	s0 =	sadd.s32 $0x280, s0  }
0x4e: {  	v15 =	vor.u32 s0, v2  }
0x4f: {  	vm9 =	vge.f32 v11, $0.0e+00;
	vm10 =	veq.f32 v14, v1  }
0x50: {  	vm9 =	vmand vm9, vm10  }
0x51: {  	v11 =	vnsel vm9, $0xFF800000, v11  }
0x52: {  	[tilespmem:v10+s25+$0x0] =	vst.idx.msk $0xffff, v11  }
0x53: {  	v14 =	vld.idx.msk [tilespmem:v15+s2+$0x0], $0xffff  }
0x54: {  	v16 =	vld.idx.msk [tilespmem:v15+s17+$0x0], $0xffff;
	_ =	sdelay $0x4  }
0x55: {  	vm9 =	vge.f32 v14, $0.0e+00;
	vm10 =	veq.f32 v16, v1  }
0x56: {  	vm9 =	vmand vm9, vm10  }
0x57: {  	v14 =	vnsel vm9, $0xFF800000, v14  }
0x58: {  	[tilespmem:v15+s25+$0x0] =	vst.idx.msk $0xffff, v14  }
0x59: {  	_ =	swait.ge [sflag:s26], $0x500  }
0x5a: {  	[sflag:s26] =	ssyncset.done $0x0  }
0x5b: {  	[sflag:s26] =	ssyncadd.s32 $0xFFFFFB00  }
0x5c: {  	_ =	swait.ge [sflag:s26], $0x500  }
0x5d: {  	[sflag:s26] =	ssyncset.done $0x0  }
0x5e: {  	[sflag:s26] =	ssyncadd.s32 $0xFFFFFB00  }
0x5f: {  	_ =	swait.ge [sflag:s26], $0x500  }
0x60: {  	[sflag:s26] =	ssyncset.done $0x0  }
0x61: {  	[sflag:s26] =	ssyncadd.s32 $0xFFFFFB00  }
0x62: {  	_ =	swait.ge [sflag:s26], $0x500  }
0x63: {  	vm9 =	vgt.f32 v13, v9;
	[sflag:s26] =	ssyncset.done $0x0  }
0x64: {  	v9 =	vsel vm9, v13, v9;
	[sflag:s26] =	ssyncadd.s32 $0xFFFFFB00  }
0x65: {  	vm10 =	vgt.f32 v11, v7;
	vm11 =	vgt.f32 v14, v9;
	_ =	swait.ge [sflag:s26], $0x500  }
0x66: {  	v7 =	vsel vm10, v11, v7;
	v9 =	vsel vm11, v14, v9;
	[sflag:s26] =	ssyncset.done $0x0  }
0x67: {  	vm12 =	vgt.f32 v9, v7;
	[sflag:s26] =	ssyncadd.s32 $0xFFFFFB00  }
0x68: {  	v7 =	vsel vm12, v9, v7;
	_ =	swait.ge [sflag:s26], $0x500  }
0x69: {  	(xrf0) =	vmax.scan.msk.f32 $0xffff, v7;
	_ =	sdelay $0x5  }
0x6a: {  	v8 =	vsel vm9, v12, v8;
	v9 =	vadd.s32 v0, v10;
	v10 =	vadd.s32 v0, v15;
	v11, _, _ =	vpop (xrf0)  }
0x6b: {  	v6 =	vsel vm10, v9, v6;
	v8 =	vsel vm11, v10, v8;
	v9 =	vbroadcast v11, $0xF  }
0x6c: {  	v6 =	vsel vm12, v8, v6  }
0x6d: {  	v6 =	vxor.u32 $0x80000000, v6;
	vm9 =	veq.f32 v7, v9  }
0x6e: {  	v6 =	vnsel vm9, $0xC0000000, v6  }
0x6f: {  	(xrf0) =	vmin.scan.msk.u32 $0xffff, v6;
	_ =	sdelay $0x5  }
0x70: {  	v6, _, _ =	vpop (xrf0)  }
0x71: {  	(v2sf) =	vpush v6, $0xF;
	_ =	sdelay $0xe  }
0x72: {  	s5 =	spop (v2sf)  }
0x73: {  	s0 =	sxor.u32 $0x80000000, s5  }
0x74: {  	s1 =	ssub.s32 s0, s3  }
0x75: {  	v6 =	vmov s1;
	_ =	sdelay $0x2  }
0x76: {  	[sflag:s26] =	ssyncset.done $0x0  }
0x77: {  	[sflag:s26] =	ssyncadd.s32 $0xFFFFFB00  }
0x78: {  	v7 =	vld.idx.msk [tilespmem:v6+s2+$0x0], $0xffff  }
0x79: {  	v8 =	vld.idx.msk [tilespmem:v6+s17+$0x0], $0xffff  }
0x7a: {  	s0 =	scvt.s32.f32 s0;
	v10 =	vld.idx.msk [tilespmem:v6+s18+$0x0], $0xffff  }
0x7b: {  	v11 =	vld.idx.msk [tilespmem:v6+s19+$0x0], $0xffff  }
0x7c: {  	v9 =	vnsel vm0, s0, v9;
	v12 =	vld.idx.msk [tilespmem:v6+s20+$0x0], $0xffff  }
0x7d: {  	v7 =	vsel vm1, v9, v7;
	v9 =	vld.idx.msk [tilespmem:v6+s21+$0x0], $0xffff  }
0x7e: {  	v7 =	vsel vm2, v7, v8;
	v8 =	vld.idx.msk [tilespmem:v6+s22+$0x0], $0xffff  }
0x7f: {  	v6 =	vld.idx.msk [tilespmem:v6+s23+$0x0], $0xffff;
	v7 =	vsel vm3, v7, v10  }
0x80: {  	v7 =	vsel vm4, v7, v11  }
0x81: {  	v7 =	vsel vm5, v7, v12  }
0x82: {  	v7 =	vsel vm6, v7, v9  }
0x83: {  	v7 =	vsel vm7, v7, v8  }
0x84: {  	v6 =	vsel vm8, v7, v6  }
0x85: {  	[tilespmem:$0x2D00] =	vst v6  }
0x86: {  	[spmem:s11] =	stream.linear.scatter [tilespmem:s28], [sflag:$0x3], $0x10, $0x38;
	[tilespmem:$0x2F20] =	vst v63  }
0x87: {  	_ =	swait.ge [sflag:s29], $0x10  }
0x88: {  	[sflag:s29] =	ssyncset.done $0x0  }
0x89: {  	[sflag:s29] =	ssyncadd.s32 $0xFFFFFFF0  }
0x8a: {  	[bflag:$0x0] =	sbarrier.arrive $0xFFFF  }
0x8b: {  	s1 =	rddreg [dreg:$0x1]  }
0x8c: {  	[tilespmem:s30], [sflag:$0x3] =	stream.linear.gather [spmem:s1], $0x100, $0x38;
	[tilespmem:$0x2F20] =	vst v63  }
0x8d: {  	_ =	swait.ge [sflag:s29], $0x100  }
0x8e: {  	[sflag:s29] =	ssyncset.done $0x0  }
0x8f: {  	[sflag:s29] =	ssyncadd.s32 $0xFFFFFF00  }
0x90: {  	v6 =	vld.idx.msk [tilespmem:v3+s30+$0x0], $0xffff;
	_ =	sdelay $0x4  }
0x91: {  	(xrf0) =	vmax.scan.msk.f32 $0xffff, v6;
	_ =	sdelay $0x4  }
0x92: {  	v7 =	vld.idx.msk [tilespmem:v4+s30+$0x0], $0xffff  }
0x93: {  	v8, _, _ =	vpop (xrf0)  }
0x94: {  	v8 =	vbroadcast v8, $0xF;
	_ =	sdelay $0x1  }
0x95: {  	vm9 =	veq.f32 v6, v8  }
0x96: {  	v6 =	vnsel vm9, $0x7149F2CA, v7  }
0x97: {  	(xrf0) =	vmin.scan.msk.f32 $0xffff, v6;
	_ =	sdelay $0x5  }
0x98: {  	v6, _, _ =	vpop (xrf0)  }
0x99: {  	v6 =	vbroadcast v6, $0xF;
	_ =	sdelay $0x1  }
0x9a: {  	vm10 =	veq.f32 v7, v6  }
0x9b: {  	vm9 =	vmand vm9, vm10  }
0x9c: {  	v6 =	vnsel vm9, $0x80000010, v5  }
0x9d: {  	(xrf0) =	vmin.scan.msk.u32 $0xffff, v6;
	_ =	sdelay $0x5  }
0x9e: {  	v6, _, _ =	vpop (xrf0)  }
0x9f: {  	(v2sf) =	vpush v6, $0xF;
	_ =	sdelay $0xe  }
0xa0: {  	s4 =	spop (v2sf)  }
0xa1: {  	s0 =	sshll.u32 s4, $0x4  }
0xa2: {  	v11 =	vlaneseq.u32 @!p0;
	v6 =	vmov s0  }
0xa3: {  	v9 =	vadd.s32 @!p0 $0x2, v11;
	v7 =	vor.u32 $0x4, v6  }
0xa4: {  	v10 =	vadd.s32 @!p0 v9, v6  }
0xa5: {  	v8 =	vor.u32 $0x5, v6  }
0xa6: {  	v12 =	vor.u32 $0x6, v6  }
0xa7: {  	v13 =	vor.u32 $0x7, v6  }
0xa8: {  	s0 =	simm.s32 @!p0 $0x2D80;
	v9 =	vld.idx.msk [tilespmem:v7+s30+$0x0], $0xffff;
	v7 =	vor.u32 $0x8, v6  }
0xa9: {  	s5 =	simm.s32 $0x280;
	v6 =	vor.u32 $0x9, v6;
	v16 =	vld.idx.msk @!p0 [tilespmem:v10+s0+$0x0], $0xff  }
0xaa: {  	v17 =	vor.u32 s5, v2;
	v8 =	vld.idx.msk [tilespmem:v8+s30+$0x0], $0xffff  }
0xab: {  	v10 =	vld.idx.msk [tilespmem:v12+s30+$0x0], $0xffff  }
0xac: {  	v12 =	vld.idx.msk [tilespmem:v13+s30+$0x0], $0xffff  }
0xad: {  	s0 =	simm.s32 @!p0 $0x2E80;
	v14 =	vld.idx.msk [tilespmem:v7+s30+$0x0], $0xffff  }
0xae: {  	v15 =	vld.idx.msk [tilespmem:v6+s30+$0x0], $0xffff;
	[tilespmem:v11+s0+$0x0] =	vst.idx.msk @!p0 $0xff, v16  }
0xaf: {  	v7 =	vld.idx.msk [tilespmem:v17+s23+$0x0], $0xffff  }
0xb0: {  	v13 =	vld.idx.msk [tilespmem:v17+s22+$0x0], $0xffff  }
0xb1: {  	v16 =	vld.idx.msk [tilespmem:v17+s18+$0x0], $0xffff  }
0xb2: {  	v18 =	vld.idx.msk [tilespmem:v17+s21+$0x0], $0xffff  }
0xb3: {  	v6 =	vsub.f32 v12, v9;
	v20 =	vld.idx.msk [tilespmem:v17+s19+$0x0], $0xffff;
	v11 =	vsub.f32 v14, v8  }
0xb4: {  	v21 =	vld.idx.msk [tilespmem:v17+s20+$0x0], $0xffff  }
0xb5: {  	s1 =	simm.s32 $0x0;
	v6 =	vmax.f32 v6, $0.0e+00;
	v11 =	vmax.f32 v11, $0.0e+00  }
0xb6: {  	v19 =	vsub.f32 v15, v10;
	v11 =	vmul.f32 v11, v6;
	v6 =	vor.u32 s1, v2  }
0xb7: {  	v22 =	vmin.f32 v14, v13;
	v23 =	vmax.f32 v9, v16;
	v16 =	vsub.f32 v18, v16  }
0xb8: {  	v13 =	vsub.f32 v13, v20;
	v18 =	vmin.f32 v12, v18;
	v20 =	vmax.f32 v8, v20  }
0xb9: {  	v24 =	vsub.f32 v7, v21;
	v19 =	vmax.f32 v19, $0.0e+00;
	v18 =	vsub.f32 v18, v23  }
0xba: {  	v20 =	vsub.f32 v22, v20;
	v16 =	vmax.f32 v16, $0.0e+00;
	v13 =	vmax.f32 v13, $0.0e+00  }
0xbb: {  	v18 =	vmax.f32 v18, $0.0e+00;
	v13 =	vmul.f32 v13, v16;
	v16 =	vmax.f32 v10, v21;
	v22 =	vld.idx.msk [tilespmem:v6+s23+$0x0], $0xffff  }
0xbc: {  	s4 =	simm.s32 $0x290;
	v20 =	vmax.f32 v20, $0.0e+00;
	v11 =	vmul.f32 v19, v11;
	v19 =	vmin.f32 v15, v7;
	v23 =	vld.idx.msk [tilespmem:v6+s21+$0x0], $0xffff  }
0xbd: {  	v7 =	vor.u32 s4, v2;
	v16 =	vsub.f32 v19, v16;
	v19 =	vmax.f32 v24, $0.0e+00;
	v25 =	vld.idx.msk [tilespmem:v6+s22+$0x0], $0xffff  }
0xbe: {  	v18 =	vmul.f32 v20, v18;
	v13 =	vmul.f32 v19, v13;
	v21 =	vld.idx.msk [tilespmem:v6+s20+$0x0], $0xffff  }
0xbf: {  	v24 =	vld.idx.msk [tilespmem:v6+s18+$0x0], $0xffff;
	v16 =	vmax.f32 v16, $0.0e+00  }
0xc0: {  	v18 =	vmul.f32 v16, v18;
	v20 =	vadd.f32 v13, v11  }
0xc1: {  	v19 =	vld.idx.msk [tilespmem:v6+s19+$0x0], $0xffff  }
0xc2: {  	v13 =	vadd.s32 v0, v17;
	v29 =	vld.idx.msk [tilespmem:v7+s22+$0x0], $0xffff;
	v20 =	vsub.f32 v20, v18  }
0xc3: {  	v31 =	vld.idx.msk [tilespmem:v7+s19+$0x0], $0xffff;
	v26 =	vmin.f32 v15, v22;
	v27 =	vmin.f32 v14, v25;
	v30 =	vsub.f32 v22, v21  }
0xc4: {  	v32 =	vld.idx.msk [tilespmem:v7+s18+$0x0], $0xffff;
	v22 =	vmin.f32 v12, v23;
	v23 =	vsub.f32 v23, v24;
	v21 =	vmax.f32 v10, v21  }
0xc5: {  	v24 =	vmax.f32 v9, v24;
	v20 =	vadd.f32 $1.000000010e-07, v20;
	v21 =	vsub.f32 v26, v21;
	v26 =	vld.idx.msk [tilespmem:v7+s21+$0x0], $0xffff  }
0xc6: {  	v33 =	vsub.f32 v22, v24;
	v24 =	vsub.f32 v25, v19;
	v19 =	vmax.f32 v8, v19  }
0xc7: {  	s5 =	simm.s32 $0x10;
	v23 =	vmax.f32 v23, $0.0e+00;
	v20 =	vmul.f32 $3.000000120e-01, v20;
	v34 =	vsub.f32 v27, v19  }
0xc8: {  	v19 =	vor.u32 s5, v2;
	v25 =	vmax.f32 v24, $0.0e+00;
	v24 =	vmax.f32 v30, $0.0e+00  }
0xc9: {  	v28 =	vld.idx.msk [tilespmem:v7+s23+$0x0], $0xffff;
	v27 =	vmul.f32 v25, v23;
	v23 =	vmin.f32 v14, v29;
	v25 =	vmax.f32 v9, v32  }
0xca: {  	v35 =	vld.idx.msk [tilespmem:v7+s20+$0x0], $0xffff;
	v29 =	vsub.f32 v29, v31;
	v30 =	vmin.f32 v12, v26;
	v26 =	vsub.f32 v26, v32  }
0xcb: {  	vm9 =	vle.f32 v18, v20;
	v25 =	vsub.f32 v30, v25;
	v30 =	vmax.f32 v8, v31  }
0xcc: {  	v20 =	vmax.f32 v29, $0.0e+00;
	v31 =	vsub.f32 v23, v30;
	v23 =	vld.idx.msk [tilespmem:v17+s25+$0x0], $0xffff;
	v17 =	vmax.f32 v26, $0.0e+00  }
0xcd: {  	v18 =	vmax.f32 v33, $0.0e+00;
	v30 =	vmul.f32 v20, v17;
	v17 =	vmax.f32 v34, $0.0e+00  }
0xce: {  	v16 =	vimm.f32 $-Inf  }
0xcf: {  	v22 =	vmin.f32 v15, v28;
	v33 =	vsub.f32 v28, v35;
	v32 =	vmax.f32 v10, v35;
	v26 =	vld.idx.msk [tilespmem:v19+s21+$0x0], $0xffff  }
0xd0: {  	s0 =	simm.s32 $0x20;
	v29 =	vmax.f32 v25, $0.0e+00;
	v25 =	vld.idx.msk [tilespmem:v19+s23+$0x0], $0xffff;
	v20 =	vimm.f32 $-Inf;
	v28 =	vmul.f32 v17, v18;
	v18 =	vmovc v0;
	v17 =	vmovc v0  }
.LBB2_4:
0xd1: {  	s4 =	sadd.s32 $0x280, s0  }
0xd2: {  	p1 =	sne.s32 s0, $0x270;
	v34 =	vld.idx.msk [tilespmem:v19+s22+$0x0], $0xffff;
	v31 =	vmax.f32 v31, $0.0e+00;
	v24 =	vmul.f32 v24, v27;
	v23 =	vnsel vm9, $0xFF800000, v23;
	s1 =	smov.u32 s0;
	s0 =	sadd.s32 $0x10, s0  }
0xd3: {  	v22 =	vsub.f32 v22, v32;
	v35 =	vor.u32 s4, v2;
	v27 =	vld.idx.msk [tilespmem:v19+s20+$0x0], $0xffff;
	v32 =	vmax.f32 v33, $0.0e+00  }
0xd4: {  	v29 =	vmul.f32 v31, v29;
	vm9 =	vgt.f32 v23, v16;
	v33 =	vld.idx.msk [tilespmem:v19+s18+$0x0], $0xffff;
	v30 =	vmul.f32 v32, v30  }
0xd5: {  	v21 =	vmax.f32 v21, $0.0e+00;
	v22 =	vmax.f32 v22, $0.0e+00;
	v24 =	vadd.f32 v24, v11;
	v31 =	vld.idx.msk [tilespmem:v19+s19+$0x0], $0xffff  }
0xd6: {  	v28 =	vmul.f32 v21, v28;
	v29 =	vmul.f32 v22, v29;
	v22 =	vadd.f32 v30, v11  }
0xd7: {  	v16 =	vsel vm9, v23, v16;
	v17 =	vsel vm9, v13, v17;
	v13 =	vadd.s32 v0, v7;
	v30 =	vld.idx.msk [tilespmem:v6+s25+$0x0], $0xffff  }
0xd8: {  	v21 =	vmin.f32 v15, v25;
	v23 =	vsub.f32 v24, v28;
	v36 =	vld.idx.msk [tilespmem:v35+s23+$0x0], $0xffff;
	v22 =	vsub.f32 v22, v29  }
0xd9: {  	v37 =	vmin.f32 v14, v34;
	v24 =	vsub.f32 v25, v27;
	v25 =	vadd.s32 v0, v6;
	v32 =	vld.idx.msk [tilespmem:v35+s22+$0x0], $0xffff  }
0xda: {  	v39 =	vmin.f32 v12, v26;
	v23 =	vadd.f32 $1.000000010e-07, v23;
	v6 =	vmovc v19;
	v26 =	vsub.f32 v26, v33;
	v38 =	vld.idx.msk [tilespmem:v35+s20+$0x0], $0xffff  }
0xdb: {  	v27 =	vmax.f32 v10, v27;
	v19 =	vmax.f32 v9, v33;
	v22 =	vadd.f32 $1.000000010e-07, v22;
	v40 =	vld.idx.msk [tilespmem:v35+s19+$0x0], $0xffff  }
0xdc: {  	v21 =	vsub.f32 v21, v27;
	v23 =	vmul.f32 $3.000000120e-01, v23;
	v26 =	vmax.f32 v26, $0.0e+00;
	v33 =	vld.idx.msk [tilespmem:v35+s18+$0x0], $0xffff  }
0xdd: {  	v39 =	vsub.f32 v39, v19;
	v19 =	vsub.f32 v34, v31;
	v34 =	vmul.f32 $3.000000120e-01, v22;
	v41 =	vld.idx.msk [tilespmem:v35+s21+$0x0], $0xffff  }
0xde: {  	v27 =	vmax.f32 v8, v31;
	vm9 =	vle.f32 v28, v23;
	v22 =	vmin.f32 v15, v36  }
0xdf: {  	v24 =	vmax.f32 v24, $0.0e+00;
	v19 =	vmax.f32 v19, $0.0e+00;
	v23 =	vnsel vm9, $0xFF800000, v30  }
0xe0: {  	v28 =	vsub.f32 v37, v27;
	v27 =	vmul.f32 v19, v26;
	vm9 =	vgt.f32 v23, v20  }
0xe1: {  	v19 =	vor.u32 s1, v2;
	v26 =	vmin.f32 v14, v32;
	v20 =	vsel vm9, v23, v20  }
0xe2: {  	v18 =	vsel vm9, v25, v18;
	v32 =	vsub.f32 v32, v40;
	v30 =	vmax.f32 v9, v33;
	v23 =	vld.idx.msk [tilespmem:v7+s25+$0x0], $0xffff  }
.Ltmp1:
0xe3: {  	vm9 =	vle.f32 v29, v34;
	v25 =	vmin.f32 v12, v41;
	v33 =	vsub.f32 v41, v33;
	v7 =	vmovc v35;
	(pc) =	sbr.rel @p1 .LBB2_4-.Ltmp1, $4  }
0xe4: {  	v34 =	vmax.f32 v39, $0.0e+00;
	v29 =	vsub.f32 v25, v30;
	v25 =	vmax.f32 v8, v40  }
0xe5: {  	v30 =	vmax.f32 v32, $0.0e+00;
	v31 =	vsub.f32 v26, v25;
	v26 =	vmax.f32 v33, $0.0e+00  }
0xe6: {  	v28 =	vmax.f32 v28, $0.0e+00;
	v29 =	vmax.f32 v29, $0.0e+00;
	v30 =	vmul.f32 v30, v26;
	v25 =	vld.idx.msk [tilespmem:v19+s23+$0x0], $0xffff  }
0xe7: {  	v28 =	vmul.f32 v28, v34;
	v32 =	vmax.f32 v10, v38;
	v33 =	vsub.f32 v36, v38;
	v26 =	vld.idx.msk [tilespmem:v19+s21+$0x0], $0xffff  }
0xe8: {  	_ =	sdelay $0x3  }
0xe9: {  	v34 =	vld.idx.msk [tilespmem:v19+s22+$0x0], $0xffff  }
0xea: {  	v35 =	vld.idx.msk [tilespmem:v19+s20+$0x0], $0xffff  }
0xeb: {  	v36 =	vld.idx.msk [tilespmem:v19+s18+$0x0], $0xffff  }
0xec: {  	v61 =	vld.idx.msk [tilespmem:v19+s19+$0x0], $0xffff  }
0xed: {  	v24 =	vmul.f32 v24, v27;
	v22 =	vsub.f32 v22, v32;
	v31 =	vmax.f32 v31, $0.0e+00  }
0xee: {  	v21 =	vmax.f32 v21, $0.0e+00;
	v62 =	vmax.f32 v33, $0.0e+00;
	v29 =	vmul.f32 v31, v29  }
0xef: {  	v38 =	vmul.f32 v21, v28;
	v30 =	vmul.f32 v62, v30;
	v15 =	vmin.f32 v15, v25  }
0xf0: {  	v12 =	vmin.f32 v12, v26;
	v14 =	vmin.f32 v14, v34;
	v63 =	vsub.f32 v25, v35  }
0xf1: {  	v33 =	vsub.f32 v26, v36;
	v9 =	vmax.f32 v9, v36;
	v36 =	vsub.f32 v34, v61  }
0xf2: {  	v10 =	vmax.f32 v10, v35;
	v8 =	vmax.f32 v8, v61;
	v9 =	vsub.f32 v12, v9  }
0xf3: {  	v8 =	vsub.f32 v14, v8;
	v31 =	vmax.f32 v33, $0.0e+00;
	v37 =	vmax.f32 v36, $0.0e+00  }
0xf4: {  	v22 =	vmax.f32 v22, $0.0e+00;
	v10 =	vsub.f32 v15, v10;
	v12 =	vmul.f32 v37, v31  }
0xf5: {  	v39 =	vmax.f32 v63, $0.0e+00;
	v9 =	vmax.f32 v9, $0.0e+00;
	v8 =	vmax.f32 v8, $0.0e+00  }
0xf6: {  	v40 =	vadd.f32 v24, v11;
	v8 =	vmul.f32 v8, v9;
	v41 =	vmul.f32 v39, v12  }
0xf7: {  	v42 =	vmul.f32 v22, v29;
	v43 =	vadd.f32 v30, v11;
	v10 =	vmax.f32 v10, $0.0e+00  }
0xf8: {  	v21 =	vsub.f32 v40, v38;
	v8 =	vmul.f32 v10, v8;
	v9 =	vadd.f32 v41, v11  }
0xf9: {  	v44 =	vsub.f32 v43, v42  }
0xfa: {  	v45 =	vld.idx.msk [tilespmem:v6+s25+$0x0], $0xffff;
	v46 =	vadd.f32 $1.000000010e-07, v21;
	v9 =	vsub.f32 v9, v8  }
0xfb: {  	v47 =	vnsel vm9, $0xFF800000, v23;
	v48 =	vld.idx.msk [tilespmem:v7+s25+$0x0], $0xffff  }
0xfc: {  	v49 =	vld.idx.msk [tilespmem:v19+s25+$0x0], $0xffff;
	v15 =	vmul.f32 $3.000000120e-01, v46;
	v10 =	vadd.f32 $1.000000010e-07, v44;
	v9 =	vadd.f32 $1.000000010e-07, v9  }
0xfd: {  	vm9 =	vgt.f32 v47, v16  }
0xfe: {  	vm10 =	vle.f32 v38, v15;
	v10 =	vmul.f32 $3.000000120e-01, v10;
	v9 =	vmul.f32 $3.000000120e-01, v9  }
0xff: {  	v50 =	vsel vm9, v47, v16;
	v11 =	vnsel vm10, $0xFF800000, v45  }
0x100: {  	vm10 =	vgt.f32 v11, v20;
	vm11 =	vle.f32 v42, v10;
	vm12 =	vle.f32 v8, v9  }
0x101: {  	v51 =	vsel vm10, v11, v20;
	v52 =	vnsel vm11, $0xFF800000, v48;
	v53 =	vnsel vm12, $0xFF800000, v49  }
0x102: {  	vm11 =	vgt.f32 v52, v50;
	vm12 =	vgt.f32 v53, v51  }
0x103: {  	v9 =	vsel vm11, v52, v50;
	v8 =	vsel vm12, v53, v51  }
0x104: {  	vm13 =	vgt.f32 v9, v8  }
0x105: {  	v8 =	vsel vm13, v9, v8  }
0x106: {  	(xrf0) =	vmax.scan.msk.f32 $0xffff, v8;
	_ =	sdelay $0x4  }
0x107: {  	v6 =	vadd.s32 v0, v6;
	v7 =	vadd.s32 v0, v7  }
0x108: {  	v55 =	vadd.s32 v0, v19;
	v54 =	vsel vm9, v13, v17;
	v6 =	vsel vm10, v6, v18;
	v56, _, _ =	vpop (xrf0)  }
0x109: {  	v7 =	vsel vm11, v7, v54;
	v6 =	vsel vm12, v55, v6;
	v57 =	vbroadcast v56, $0xF  }
0x10a: {  	v6 =	vsel vm13, v7, v6  }
0x10b: {  	v6 =	vxor.u32 $0x80000000, v6;
	vm9 =	veq.f32 v8, v57  }
0x10c: {  	v6 =	vnsel vm9, $0xC0000000, v6  }
0x10d: {  	(xrf0) =	vmin.scan.msk.u32 $0xffff, v6;
	_ =	sdelay $0x5  }
0x10e: {  	v6, _, _ =	vpop (xrf0)  }
0x10f: {  	(v2sf) =	vpush v6, $0xF;
	_ =	sdelay $0xe  }
0x110: {  	s0 =	spop (v2sf)  }
0x111: {  	s0 =	sxor.u32 $0x80000000, s0  }
0x112: {  	s1 =	ssub.s32 s0, s3  }
0x113: {  	v6 =	vmov s1;
	_ =	sdelay $0x4  }
0x114: {  	v7 =	vld.idx.msk [tilespmem:v6+s2+$0x0], $0xffff  }
0x115: {  	v58 =	vld.idx.msk [tilespmem:v6+s17+$0x0], $0xffff  }
0x116: {  	s0 =	scvt.s32.f32 s0;
	v59 =	vld.idx.msk [tilespmem:v6+s18+$0x0], $0xffff  }
0x117: {  	v60 =	vld.idx.msk [tilespmem:v6+s19+$0x0], $0xffff  }
0x118: {  	v9 =	vnsel vm0, s0, v57;
	v61 =	vld.idx.msk [tilespmem:v6+s20+$0x0], $0xffff  }
0x119: {  	v62 =	vld.idx.msk [tilespmem:v6+s21+$0x0], $0xffff;
	v7 =	vsel vm1, v9, v7  }
0x11a: {  	v63 =	vld.idx.msk [tilespmem:v6+s22+$0x0], $0xffff;
	v7 =	vsel vm2, v7, v58  }
0x11b: {  	v6 =	vld.idx.msk [tilespmem:v6+s23+$0x0], $0xffff;
	v7 =	vsel vm3, v7, v59  }
0x11c: {  	v7 =	vsel vm4, v7, v60  }
0x11d: {  	v7 =	vsel vm5, v7, v61  }
0x11e: {  	v7 =	vsel vm6, v7, v62  }
0x11f: {  	v7 =	vsel vm7, v7, v63  }
0x120: {  	v6 =	vsel vm8, v7, v6  }
0x121: {  	[tilespmem:$0x2D00] =	vst v6  }
0x122: {  	[spmem:s13] =	stream.linear.scatter [tilespmem:s28], [sflag:$0x3], $0x10, $0x38;
	[tilespmem:$0x2F20] =	vst v63  }
0x123: {  	_ =	swait.ge [sflag:s29], $0x10  }
0x124: {  	v6 =	vlaneseq.u32 @!p0;
	[sflag:s29] =	ssyncset.done $0x0  }
0x125: {  	v7 =	vmul.u32 @!p0 $0x10, v6;
	[sflag:s29] =	ssyncadd.s32 $0xFFFFFFF0  }
0x126: {  	s1 =	simm.s32 @!p0 $0x3;
	s0 =	simm.s32 @!p0 $0x2D80;
	[bflag:$0x0] =	sbarrier.arrive $0xFFFF  }
0x127: {  	[tilespmem:s0], [sflag:$0x3] =	stream.linear.gather @!p0 [spmem:s14], $0x100, $0x38;
	[tilespmem:$0x2F20] =	vst v63  }
0x128: {  	_ =	swait.ge @!p0 [sflag:s1], $0x100  }
0x129: {  	[sflag:s1] =	ssyncset.done @!p0 $0x0  }
0x12a: {  	[sflag:s1] =	ssyncadd.s32 @!p0 $0xFFFFFF00  }
0x12b: {  	v8 =	vld.idx.msk @!p0 [tilespmem:v7+s0+$0x0], $0xffff;
	_ =	sdelay $0x4  }
0x12c: {  	v7 =	vor.u32 @!p0 $0x1, v7;
	(xrf0) =	vmax.scan.msk.f32 @!p0 $0xffff, v8;
	_ =	sdelay $0x4  }
0x12d: {  	v7 =	vld.idx.msk @!p0 [tilespmem:v7+s0+$0x0], $0xffff  }
0x12e: {  	v9, _, _ =	vpop @!p0 (xrf0)  }
0x12f: {  	v9 =	vbroadcast @!p0 v9, $0xF;
	_ =	sdelay $0x1  }
0x130: {  	vm9 =	veq.f32 @!p0 v8, v9  }
0x131: {  	v8 =	vnsel @!p0 vm9, $0x7149F2CA, v7  }
0x132: {  	(xrf0) =	vmin.scan.msk.f32 @!p0 $0xffff, v8;
	_ =	sdelay $0x5  }
0x133: {  	v8, _, _ =	vpop @!p0 (xrf0)  }
0x134: {  	v8 =	vbroadcast @!p0 v8, $0xF;
	_ =	sdelay $0x1  }
0x135: {  	vm10 =	veq.f32 @!p0 v7, v8  }
0x136: {  	v7 =	vor.u32 @!p0 $0x80000000, v6;
	vm9 =	vmand @!p0 vm9, vm10  }
0x137: {  	v7 =	vnsel @!p0 vm9, $0x80000010, v7  }
0x138: {  	(xrf0) =	vmin.scan.msk.u32 @!p0 $0xffff, v7;
	_ =	sdelay $0x5  }
0x139: {  	v7, _, _ =	vpop @!p0 (xrf0)  }
0x13a: {  	(v2sf) =	vpush @!p0 v7, $0xF;
	_ =	sdelay $0xe  }
0x13b: {  	s4 =	spop @!p0 (v2sf)  }
0x13c: {  	v7 =	vadd.s32 @!p0 $0x2, v6;
	s4 =	sshll.u32 @!p0 s4, $0x4  }
0x13d: {  	v7 =	vadd.s32 @!p0 s4, v7;
	_ =	sdelay $0x4  }
0x13e: {  	v6 =	vadd.s32 @!p0 $0x8, v6;
	v7 =	vld.idx.msk @!p0 [tilespmem:v7+s0+$0x0], $0xff;
	_ =	sdelay $0x2  }
0x13f: {  	s31 =	sadd.s32 $0x1, s31  }
0x140: {  	p1 =	sne.s32 s31, s16;
	s0 =	simm.s32 @!p0 $0x2E80  }
.Ltmp2:
0x141: {  	s4 =	simm.s32 @!p0 $0x0;
	[tilespmem:v6+s0+$0x0] =	vst.idx.msk @!p0 $0xff, v7;
	(pc) =	sbr.rel @p1 .LBB2_1-.Ltmp2, $4  }
0x142: {  	[hbm4b:s15+s4] =	stream.linear.scatter @!p0 [tilespmem:s0], [sflag:$0x3], $0x10, $0x38;
	[tilespmem:$0x2F20] =	vst v63  }
0x143: {  	_ =	swait.ge @!p0 [sflag:s1], $0x10  }
0x144: {  	[sflag:s1] =	ssyncset.done @!p0 $0x0  }
0x145: {  	[sflag:s1] =	ssyncadd.s32 @!p0 $0xFFFFFFF0  }
0x146: {  	_ =	sfence.sel $0x180000  }
0x147: {  	[bflag:$0x0] =	sbarrier.arrive $0xFFFF  }
0x148: {  	_ =	strace $0x90000047  }
0x149: {  	[bflag:$0x2] =	sbarrier.arrive $0xFFFF  }
0x14a: {  	s0 =	rddreg [dreg:$0x2]  }
0x14b: {  	s0 =	sadd.s32 @!p0 $0x100000, s0  }
0x14c: {  	[sflag:s0] =	ssyncadd.tile.s32 @!p0 $0x1;
	_ =	shalt  }
.Lfunc_end2:
_tile_overlayer_lowered:
.L_overlay_start_2:
0x14d: {  	(tag) =	ssettag $0x2  }
0x14e: {  	s0 =	rddreg [dreg:$0x0];
	s2 =	stileid.u32  }
0x14f: {  	s1 =	rddreg [dreg:$0x1];
	p0 =	sne.s32 s2, $0x0  }
0x150: {  	s3 =	rddreg [dreg:$0x2];
	[bflag:$0x3] =	sbarrier.arrive $0xFFFF;
	s2 =	simm.s32 @!p0 $0x1C03  }
0x151: {  	[timem:s3], [sflag:s2] =	dma.local @!p0 [hbm:s0], s1  }
0x152: {  	s0 =	simm.s32 @!p0 $0x3  }
0x153: {  	_ =	swait.ge @!p0 [sflag:s0], s1  }
0x154: {  	s1 =	ssub.s32 @!p0 $0x0, s1;
	[sflag:s0] =	ssyncset.done @!p0 $0x0  }
0x155: {  	[sflag:s0] =	ssyncadd.s32 @!p0 s1  }
0x156: {  	[bflag:$0x3] =	sbarrier.arrive $0xFFFF  }
0x157: {  	_ =	shalt  }

</sc_bundles>
